<compile_context>
chip_gen: v7x
topology: tpu7x:2x2x1
jax: 0.10.2.dev20260603
libtpu: 0.0.44.dev20260713+nightly
codegen_flags: <defaults>
</compile_context>

<pallas_src>
import functools
import jax
import jax.numpy as jnp
from jax import lax
from jax.experimental import pallas as pl
from jax.experimental.pallas import tpu as pltpu
from jax.experimental.pallas import tpu_sc as plsc


def _sc_stream(pred, n_lo, n_hi, num_classes):
    mesh = plsc.VectorSubcoreMesh(core_axis_name="c", subcore_axis_name="s")
    info = plsc.get_sparse_core_info()
    nw = info.num_cores * info.num_subcores
    rpw = (n_hi - n_lo) // nw

    @functools.partial(
        pl.kernel, mesh=mesh,
        out_type=jax.ShapeDtypeStruct((nw, 16), jnp.float32),
        scratch_types=[
            pltpu.VMEM((1, num_classes), jnp.float32),
            pltpu.VMEM((16,), jnp.float32),
            pltpu.SemaphoreType.DMA,
        ],
    )
    def k(pred_hbm, out_hbm, buf, acc, sem):
        wid = lax.axis_index("s") * info.num_cores + lax.axis_index("c")
        base = n_lo + wid * rpw
        acc[...] = jnp.zeros((16,), jnp.float32)
        for r in range(rpw):
            pltpu.async_copy(
                pred_hbm.at[pl.ds(base + r, 1), :], buf, sem).wait()
            acc[...] = acc[...] + buf[0, pl.ds(0, 16)]
        pltpu.sync_copy(acc, out_hbm.at[wid])

    return k(pred)


def _tc_body(pa_ref, pb_ref, rl_ref, mk_ref):
    rl_ref[...] = jnp.max(pa_ref[...], axis=1, keepdims=True)
    mk_ref[...] = jnp.max(pb_ref[...], axis=1, keepdims=True)


def kernel(pred, target):
    n, num_classes = pred.shape
    half_n = n // 2
    block_r = 16
    nblocks = half_n // (2 * block_r)

    sc_out = _sc_stream(pred, half_n, n, num_classes)

    rl, mk = pl.pallas_call(
        _tc_body,
        grid=(nblocks,),
        in_specs=[
            pl.BlockSpec((block_r, num_classes), lambda j: (2 * j, 0)),
            pl.BlockSpec((block_r, num_classes), lambda j: (2 * j + 1, 0)),
        ],
        out_specs=[pl.BlockSpec((block_r, 1), lambda j: (j, 0))] * 2,
        out_shape=[jax.ShapeDtypeStruct((half_n // 2, 1), jnp.float32)] * 2,
        compiler_params=pltpu.CompilerParams(
            dimension_semantics=("parallel",)),
    )(pred, pred)
    return jnp.sum(rl) + jnp.sum(mk) + jnp.sum(sc_out)

# --- scband reference (transcript-rebuilt; emitter-appended) ---
"""Pipeline reference for scband-label-smoothing-loss-42485816492172 (READ-ONLY COPY).

The authoritative reference and input builder live on the scoring server;
editing this copy changes nothing except your own understanding.
"""

import jax, jax.numpy as jnp
import numpy as np

SMOOTHING = 0.1
CONFIDENCE = 1.0 - SMOOTHING
IGNORE_INDEX = -100


def setup_inputs(seed: int = 0) -> dict:
    key = jax.random.key(seed)
    k1, k2 = jax.random.split(key)
    pred = jax.random.normal(k1, (1024, 100000), dtype=jnp.float32)
    target = jax.random.randint(k2, (1024,), 0, 100000, dtype=jnp.int64 if jax.config.read('jax_enable_x64') else jnp.int32).astype(jnp.int32)
    return {"pred": pred, "target": target}


def reference(pred, target):
    num_classes = pred.shape[-1]
    logp = jax.nn.log_softmax(pred, axis=-1)
    mask = target != IGNORE_INDEX
    n = logp.shape[0]
    safe_target = jnp.where(mask, target, 0)
    new_target = jnp.full_like(logp, SMOOTHING / (num_classes - 1))
    new_target = new_target.at[jnp.arange(n), safe_target].set(CONFIDENCE)
    loss = -new_target * logp
    row_loss = jnp.sum(loss, axis=-1)
    maskf = mask.astype(row_loss.dtype)
    return jnp.sum(row_loss * maskf) / jnp.sum(maskf)

if __name__ == "__main__":
    import jax
    _d = setup_inputs()
    print(jax.jit(kernel)(*tuple(_d.values())))

</pallas_src>

<mosaic_0001>
#map = affine_map<(d0, d1) -> (0, 0)>
module attributes {stable_mosaic.version = 14 : i64} {
  func.func @k(%arg0: i32, %arg1: i32, %arg2: memref<1024x100000xf32, #tpu.memory_space<hbm>>, %arg3: memref<32x16xf32, #tpu.memory_space<hbm>>, %arg4: memref<1x100000xf32, #tpu.memory_space<vmem>>, %arg5: memref<16xf32, #tpu.memory_space<vmem>>, %arg6: memref<!tpu.dma_semaphore, #tpu.memory_space<semaphore_mem>>) attributes {dimension_semantics = [#tpu.dimension_semantics<core_parallel>, #tpu.dimension_semantics<subcore_parallel>], iteration_bounds = array<i64: 2, 16>, scalar_prefetch = 0 : i64, scratch_operands = 3 : i64, tpu.core_type = #tpu.core_type<sc_vector_subcore>, window_params = [{transform_indices = #map}, {transform_indices = #map}]} {
    %mul3A = arith.constant 2 : i32
    %mul3A_0 = arith.muli %arg1, %mul3A : i32
    %add3A = arith.addi %mul3A_0, %arg0 : i32
    %mul3A_1 = arith.constant 16 : i32
    %mul3A_2 = arith.muli %add3A, %mul3A_1 : i32
    %add3A_3 = arith.constant 512 : i32
    %add3A_4 = arith.addi %add3A_3, %mul3A_2 : i32
    %broadcast_in_dim3A = arith.constant 0.000000e+00 : f32
    %broadcast_in_dim3A_5 = vector.broadcast %broadcast_in_dim3A : f32 to vector<16xf32>
    %swap3A = arith.constant 0 : index
    %swap3A_6 = tpu.vector_load %arg5[%swap3A] {strides = array<i32>} : memref<16xf32, #tpu.memory_space<vmem>>, vector<16xf32>,
    %swap3A_7 = vector.shape_cast %swap3A_6 : vector<16xf32> to vector<16xf32>
    %swap3A_8 = vector.shape_cast %broadcast_in_dim3A_5 : vector<16xf32> to vector<16xf32>
    tpu.vector_store %arg5[%swap3A], %swap3A_8 {strides = array<i32>} : memref<16xf32, #tpu.memory_space<vmem>>, vector<16xf32>,
    %add3A_9 = arith.constant 0 : i32
    %add3A_10 = arith.addi %add3A_4, %add3A_9 : i32
    %dma_start3A = arith.constant 0 : i32
    %dma_start3A_11 = tpu.memref_slice %arg2[%add3A_10, %dma_start3A] : memref<1024x100000xf32, #tpu.memory_space<hbm>> -> memref<1x100000xf32, #tpu.memory_space<hbm>>
    %dma_start3A_12 = arith.constant 0 : i32
    %dma_start3A_13 = tpu.memref_slice %arg2[%add3A_10, %dma_start3A_12] : memref<1024x100000xf32, #tpu.memory_space<hbm>> -> memref<1x100000xf32, #tpu.memory_space<hbm>>
    tpu.enqueue_dma source(%dma_start3A_13 : memref<1x100000xf32, #tpu.memory_space<hbm>>) target(%arg4 : memref<1x100000xf32, #tpu.memory_space<vmem>>) target_semaphore(%arg6 : memref<!tpu.dma_semaphore, #tpu.memory_space<semaphore_mem>>)
    %dma_wait3A = arith.constant 0 : i32
    %dma_wait3A_14 = tpu.memref_slice %arg2[%add3A_10, %dma_wait3A] : memref<1024x100000xf32, #tpu.memory_space<hbm>> -> memref<1x100000xf32, #tpu.memory_space<hbm>>
    %dma_wait3A_15 = arith.constant 0 : i32
    %dma_wait3A_16 = tpu.memref_slice %arg2[%add3A_10, %dma_wait3A_15] : memref<1024x100000xf32, #tpu.memory_space<hbm>> -> memref<1x100000xf32, #tpu.memory_space<hbm>>
    tpu.wait_dma2 semaphore(%arg6 : memref<!tpu.dma_semaphore, #tpu.memory_space<semaphore_mem>>) src(%dma_wait3A_16 : memref<1x100000xf32, #tpu.memory_space<hbm>>) dst(%arg4 : memref<1x100000xf32, #tpu.memory_space<vmem>>)
    %get3A = arith.constant 0 : index
    %get3A_17 = tpu.vector_load %arg5[%get3A] {strides = array<i32>} : memref<16xf32, #tpu.memory_space<vmem>>, vector<16xf32>,
    %get3A_18 = vector.shape_cast %get3A_17 : vector<16xf32> to vector<16xf32>
    %get3A_19 = arith.constant 0 : i32
    %get3A_20 = arith.index_cast %get3A_19 : i32 to index
    %get3A_21 = arith.constant 0 : index
    %get3A_22 = tpu.vector_load %arg4[%get3A_20, %get3A_21] {strides = array<i32>} : memref<1x100000xf32, #tpu.memory_space<vmem>>, vector<1x16xf32>,
    %get3A_23 = vector.shape_cast %get3A_22 : vector<1x16xf32> to vector<16xf32>
    %add3A_24 = arith.addf %get3A_18, %get3A_23 : vector<16xf32>
    %swap3A_25 = arith.constant 0 : index
    %swap3A_26 = tpu.vector_load %arg5[%swap3A_25] {strides = array<i32>} : memref<16xf32, #tpu.memory_space<vmem>>, vector<16xf32>,
    %swap3A_27 = vector.shape_cast %swap3A_26 : vector<16xf32> to vector<16xf32>
    %swap3A_28 = vector.shape_cast %add3A_24 : vector<16xf32> to vector<16xf32>
    tpu.vector_store %arg5[%swap3A_25], %swap3A_28 {strides = array<i32>} : memref<16xf32, #tpu.memory_space<vmem>>, vector<16xf32>,
    %add3A_29 = arith.constant 1 : i32
    %add3A_30 = arith.addi %add3A_4, %add3A_29 : i32
    %dma_start3A_31 = arith.constant 0 : i32
    %dma_start3A_32 = tpu.memref_slice %arg2[%add3A_30, %dma_start3A_31] : memref<1024x100000xf32, #tpu.memory_space<hbm>> -> memref<1x100000xf32, #tpu.memory_space<hbm>>
    %dma_start3A_33 = arith.constant 0 : i32
    %dma_start3A_34 = tpu.memref_slice %arg2[%add3A_30, %dma_start3A_33] : memref<1024x100000xf32, #tpu.memory_space<hbm>> -> memref<1x100000xf32, #tpu.memory_space<hbm>>
    tpu.enqueue_dma source(%dma_start3A_34 : memref<1x100000xf32, #tpu.memory_space<hbm>>) target(%arg4 : memref<1x100000xf32, #tpu.memory_space<vmem>>) target_semaphore(%arg6 : memref<!tpu.dma_semaphore, #tpu.memory_space<semaphore_mem>>)
    %dma_wait3A_35 = arith.constant 0 : i32
    %dma_wait3A_36 = tpu.memref_slice %arg2[%add3A_30, %dma_wait3A_35] : memref<1024x100000xf32, #tpu.memory_space<hbm>> -> memref<1x100000xf32, #tpu.memory_space<hbm>>
    %dma_wait3A_37 = arith.constant 0 : i32
    %dma_wait3A_38 = tpu.memref_slice %arg2[%add3A_30, %dma_wait3A_37] : memref<1024x100000xf32, #tpu.memory_space<hbm>> -> memref<1x100000xf32, #tpu.memory_space<hbm>>
    tpu.wait_dma2 semaphore(%arg6 : memref<!tpu.dma_semaphore, #tpu.memory_space<semaphore_mem>>) src(%dma_wait3A_38 : memref<1x100000xf32, #tpu.memory_space<hbm>>) dst(%arg4 : memref<1x100000xf32, #tpu.memory_space<vmem>>)
    %get3A_39 = arith.constant 0 : index
    %get3A_40 = tpu.vector_load %arg5[%get3A_39] {strides = array<i32>} : memref<16xf32, #tpu.memory_space<vmem>>, vector<16xf32>,
    %get3A_41 = vector.shape_cast %get3A_40 : vector<16xf32> to vector<16xf32>
    %get3A_42 = arith.constant 0 : i32
    %get3A_43 = arith.index_cast %get3A_42 : i32 to index
    %get3A_44 = arith.constant 0 : index
    %get3A_45 = tpu.vector_load %arg4[%get3A_43, %get3A_44] {strides = array<i32>} : memref<1x100000xf32, #tpu.memory_space<vmem>>, vector<1x16xf32>,
    %get3A_46 = vector.shape_cast %get3A_45 : vector<1x16xf32> to vector<16xf32>
    %add3A_47 = arith.addf %get3A_41, %get3A_46 : vector<16xf32>
    %swap3A_48 = arith.constant 0 : index
    %swap3A_49 = tpu.vector_load %arg5[%swap3A_48] {strides = array<i32>} : memref<16xf32, #tpu.memory_space<vmem>>, vector<16xf32>,
    %swap3A_50 = vector.shape_cast %swap3A_49 : vector<16xf32> to vector<16xf32>
    %swap3A_51 = vector.shape_cast %add3A_47 : vector<16xf32> to vector<16xf32>
    tpu.vector_store %arg5[%swap3A_48], %swap3A_51 {strides = array<i32>} : memref<16xf32, #tpu.memory_space<vmem>>, vector<16xf32>,
    %add3A_52 = arith.constant 2 : i32
    %add3A_53 = arith.addi %add3A_4, %add3A_52 : i32
    %dma_start3A_54 = arith.constant 0 : i32
    %dma_start3A_55 = tpu.memref_slice %arg2[%add3A_53, %dma_start3A_54] : memref<1024x100000xf32, #tpu.memory_space<hbm>> -> memref<1x100000xf32, #tpu.memory_space<hbm>>
    %dma_start3A_56 = arith.constant 0 : i32
    %dma_start3A_57 = tpu.memref_slice %arg2[%add3A_53, %dma_start3A_56] : memref<1024x100000xf32, #tpu.memory_space<hbm>> -> memref<1x100000xf32, #tpu.memory_space<hbm>>
    tpu.enqueue_dma source(%dma_start3A_57 : memref<1x100000xf32, #tpu.memory_space<hbm>>) target(%arg4 : memref<1x100000xf32, #tpu.memory_space<vmem>>) target_semaphore(%arg6 : memref<!tpu.dma_semaphore, #tpu.memory_space<semaphore_mem>>)
    %dma_wait3A_58 = arith.constant 0 : i32
    %dma_wait3A_59 = tpu.memref_slice %arg2[%add3A_53, %dma_wait3A_58] : memref<1024x100000xf32, #tpu.memory_space<hbm>> -> memref<1x100000xf32, #tpu.memory_space<hbm>>
    %dma_wait3A_60 = arith.constant 0 : i32
    %dma_wait3A_61 = tpu.memref_slice %arg2[%add3A_53, %dma_wait3A_60] : memref<1024x100000xf32, #tpu.memory_space<hbm>> -> memref<1x100000xf32, #tpu.memory_space<hbm>>
    tpu.wait_dma2 semaphore(%arg6 : memref<!tpu.dma_semaphore, #tpu.memory_space<semaphore_mem>>) src(%dma_wait3A_61 : memref<1x100000xf32, #tpu.memory_space<hbm>>) dst(%arg4 : memref<1x100000xf32, #tpu.memory_space<vmem>>)
    %get3A_62 = arith.constant 0 : index
    %get3A_63 = tpu.vector_load %arg5[%get3A_62] {strides = array<i32>} : memref<16xf32, #tpu.memory_space<vmem>>, vector<16xf32>,
    %get3A_64 = vector.shape_cast %get3A_63 : vector<16xf32> to vector<16xf32>
    %get3A_65 = arith.constant 0 : i32
    %get3A_66 = arith.index_cast %get3A_65 : i32 to index
    %get3A_67 = arith.constant 0 : index
    %get3A_68 = tpu.vector_load %arg4[%get3A_66, %get3A_67] {strides = array<i32>} : memref<1x100000xf32, #tpu.memory_space<vmem>>, vector<1x16xf32>,
    %get3A_69 = vector.shape_cast %get3A_68 : vector<1x16xf32> to vector<16xf32>
    %add3A_70 = arith.addf %get3A_64, %get3A_69 : vector<16xf32>
    %swap3A_71 = arith.constant 0 : index
    %swap3A_72 = tpu.vector_load %arg5[%swap3A_71] {strides = array<i32>} : memref<16xf32, #tpu.memory_space<vmem>>, vector<16xf32>,
    %swap3A_73 = vector.shape_cast %swap3A_72 : vector<16xf32> to vector<16xf32>
    %swap3A_74 = vector.shape_cast %add3A_70 : vector<16xf32> to vector<16xf32>
    tpu.vector_store %arg5[%swap3A_71], %swap3A_74 {strides = array<i32>} : memref<16xf32, #tpu.memory_space<vmem>>, vector<16xf32>,
    %add3A_75 = arith.constant 3 : i32
    %add3A_76 = arith.addi %add3A_4, %add3A_75 : i32
    %dma_start3A_77 = arith.constant 0 : i32
    %dma_start3A_78 = tpu.memref_slice %arg2[%add3A_76, %dma_start3A_77] : memref<1024x100000xf32, #tpu.memory_space<hbm>> -> memref<1x100000xf32, #tpu.memory_space<hbm>>
    %dma_start3A_79 = arith.constant 0 : i32
    %dma_start3A_80 = tpu.memref_slice %arg2[%add3A_76, %dma_start3A_79] : memref<1024x100000xf32, #tpu.memory_space<hbm>> -> memref<1x100000xf32, #tpu.memory_space<hbm>>
    tpu.enqueue_dma source(%dma_start3A_80 : memref<1x100000xf32, #tpu.memory_space<hbm>>) target(%arg4 : memref<1x100000xf32, #tpu.memory_space<vmem>>) target_semaphore(%arg6 : memref<!tpu.dma_semaphore, #tpu.memory_space<semaphore_mem>>)
    %dma_wait3A_81 = arith.constant 0 : i32
    %dma_wait3A_82 = tpu.memref_slice %arg2[%add3A_76, %dma_wait3A_81] : memref<1024x100000xf32, #tpu.memory_space<hbm>> -> memref<1x100000xf32, #tpu.memory_space<hbm>>
    %dma_wait3A_83 = arith.constant 0 : i32
    %dma_wait3A_84 = tpu.memref_slice %arg2[%add3A_76, %dma_wait3A_83] : memref<1024x100000xf32, #tpu.memory_space<hbm>> -> memref<1x100000xf32, #tpu.memory_space<hbm>>
    tpu.wait_dma2 semaphore(%arg6 : memref<!tpu.dma_semaphore, #tpu.memory_space<semaphore_mem>>) src(%dma_wait3A_84 : memref<1x100000xf32, #tpu.memory_space<hbm>>) dst(%arg4 : memref<1x100000xf32, #tpu.memory_space<vmem>>)
    %get3A_85 = arith.constant 0 : index
    %get3A_86 = tpu.vector_load %arg5[%get3A_85] {strides = array<i32>} : memref<16xf32, #tpu.memory_space<vmem>>, vector<16xf32>,
    %get3A_87 = vector.shape_cast %get3A_86 : vector<16xf32> to vector<16xf32>
    %get3A_88 = arith.constant 0 : i32
    %get3A_89 = arith.index_cast %get3A_88 : i32 to index
    %get3A_90 = arith.constant 0 : index
    %get3A_91 = tpu.vector_load %arg4[%get3A_89, %get3A_90] {strides = array<i32>} : memref<1x100000xf32, #tpu.memory_space<vmem>>, vector<1x16xf32>,
    %get3A_92 = vector.shape_cast %get3A_91 : vector<1x16xf32> to vector<16xf32>
    %add3A_93 = arith.addf %get3A_87, %get3A_92 : vector<16xf32>
    %swap3A_94 = arith.constant 0 : index
    %swap3A_95 = tpu.vector_load %arg5[%swap3A_94] {strides = array<i32>} : memref<16xf32, #tpu.memory_space<vmem>>, vector<16xf32>,
    %swap3A_96 = vector.shape_cast %swap3A_95 : vector<16xf32> to vector<16xf32>
    %swap3A_97 = vector.shape_cast %add3A_93 : vector<16xf32> to vector<16xf32>
    tpu.vector_store %arg5[%swap3A_94], %swap3A_97 {strides = array<i32>} : memref<16xf32, #tpu.memory_space<vmem>>, vector<16xf32>,
    %add3A_98 = arith.constant 4 : i32
    %add3A_99 = arith.addi %add3A_4, %add3A_98 : i32
    %dma_start3A_100 = arith.constant 0 : i32
    %dma_start3A_101 = tpu.memref_slice %arg2[%add3A_99, %dma_start3A_100] : memref<1024x100000xf32, #tpu.memory_space<hbm>> -> memref<1x100000xf32, #tpu.memory_space<hbm>>
    %dma_start3A_102 = arith.constant 0 : i32
    %dma_start3A_103 = tpu.memref_slice %arg2[%add3A_99, %dma_start3A_102] : memref<1024x100000xf32, #tpu.memory_space<hbm>> -> memref<1x100000xf32, #tpu.memory_space<hbm>>
    tpu.enqueue_dma source(%dma_start3A_103 : memref<1x100000xf32, #tpu.memory_space<hbm>>) target(%arg4 : memref<1x100000xf32, #tpu.memory_space<vmem>>) target_semaphore(%arg6 : memref<!tpu.dma_semaphore, #tpu.memory_space<semaphore_mem>>)
    %dma_wait3A_104 = arith.constant 0 : i32
    %dma_wait3A_105 = tpu.memref_slice %arg2[%add3A_99, %dma_wait3A_104] : memref<1024x100000xf32, #tpu.memory_space<hbm>> -> memref<1x100000xf32, #tpu.memory_space<hbm>>
    %dma_wait3A_106 = arith.constant 0 : i32
    %dma_wait3A_107 = tpu.memref_slice %arg2[%add3A_99, %dma_wait3A_106] : memref<1024x100000xf32, #tpu.memory_space<hbm>> -> memref<1x100000xf32, #tpu.memory_space<hbm>>
    tpu.wait_dma2 semaphore(%arg6 : memref<!tpu.dma_semaphore, #tpu.memory_space<semaphore_mem>>) src(%dma_wait3A_107 : memref<1x100000xf32, #tpu.memory_space<hbm>>) dst(%arg4 : memref<1x100000xf32, #tpu.memory_space<vmem>>)
    %get3A_108 = arith.constant 0 : index
    %get3A_109 = tpu.vector_load %arg5[%get3A_108] {strides = array<i32>} : memref<16xf32, #tpu.memory_space<vmem>>, vector<16xf32>,
    %get3A_110 = vector.shape_cast %get3A_109 : vector<16xf32> to vector<16xf32>
    %get3A_111 = arith.constant 0 : i32
    %get3A_112 = arith.index_cast %get3A_111 : i32 to index
    %get3A_113 = arith.constant 0 : index
    %get3A_114 = tpu.vector_load %arg4[%get3A_112, %get3A_113] {strides = array<i32>} : memref<1x100000xf32, #tpu.memory_space<vmem>>, vector<1x16xf32>,
    %get3A_115 = vector.shape_cast %get3A_114 : vector<1x16xf32> to vector<16xf32>
    %add3A_116 = arith.addf %get3A_110, %get3A_115 : vector<16xf32>
    %swap3A_117 = arith.constant 0 : index
    %swap3A_118 = tpu.vector_load %arg5[%swap3A_117] {strides = array<i32>} : memref<16xf32, #tpu.memory_space<vmem>>, vector<16xf32>,
    %swap3A_119 = vector.shape_cast %swap3A_118 : vector<16xf32> to vector<16xf32>
    %swap3A_120 = vector.shape_cast %add3A_116 : vector<16xf32> to vector<16xf32>
    tpu.vector_store %arg5[%swap3A_117], %swap3A_120 {strides = array<i32>} : memref<16xf32, #tpu.memory_space<vmem>>, vector<16xf32>,
    %add3A_121 = arith.constant 5 : i32
    %add3A_122 = arith.addi %add3A_4, %add3A_121 : i32
    %dma_start3A_123 = arith.constant 0 : i32
    %dma_start3A_124 = tpu.memref_slice %arg2[%add3A_122, %dma_start3A_123] : memref<1024x100000xf32, #tpu.memory_space<hbm>> -> memref<1x100000xf32, #tpu.memory_space<hbm>>
    %dma_start3A_125 = arith.constant 0 : i32
    %dma_start3A_126 = tpu.memref_slice %arg2[%add3A_122, %dma_start3A_125] : memref<1024x100000xf32, #tpu.memory_space<hbm>> -> memref<1x100000xf32, #tpu.memory_space<hbm>>
    tpu.enqueue_dma source(%dma_start3A_126 : memref<1x100000xf32, #tpu.memory_space<hbm>>) target(%arg4 : memref<1x100000xf32, #tpu.memory_space<vmem>>) target_semaphore(%arg6 : memref<!tpu.dma_semaphore, #tpu.memory_space<semaphore_mem>>)
    %dma_wait3A_127 = arith.constant 0 : i32
    %dma_wait3A_128 = tpu.memref_slice %arg2[%add3A_122, %dma_wait3A_127] : memref<1024x100000xf32, #tpu.memory_space<hbm>> -> memref<1x100000xf32, #tpu.memory_space<hbm>>
    %dma_wait3A_129 = arith.constant 0 : i32
    %dma_wait3A_130 = tpu.memref_slice %arg2[%add3A_122, %dma_wait3A_129] : memref<1024x100000xf32, #tpu.memory_space<hbm>> -> memref<1x100000xf32, #tpu.memory_space<hbm>>
    tpu.wait_dma2 semaphore(%arg6 : memref<!tpu.dma_semaphore, #tpu.memory_space<semaphore_mem>>) src(%dma_wait3A_130 : memref<1x100000xf32, #tpu.memory_space<hbm>>) dst(%arg4 : memref<1x100000xf32, #tpu.memory_space<vmem>>)
    %get3A_131 = arith.constant 0 : index
    %get3A_132 = tpu.vector_load %arg5[%get3A_131] {strides = array<i32>} : memref<16xf32, #tpu.memory_space<vmem>>, vector<16xf32>,
    %get3A_133 = vector.shape_cast %get3A_132 : vector<16xf32> to vector<16xf32>
    %get3A_134 = arith.constant 0 : i32
    %get3A_135 = arith.index_cast %get3A_134 : i32 to index
    %get3A_136 = arith.constant 0 : index
    %get3A_137 = tpu.vector_load %arg4[%get3A_135, %get3A_136] {strides = array<i32>} : memref<1x100000xf32, #tpu.memory_space<vmem>>, vector<1x16xf32>,
    %get3A_138 = vector.shape_cast %get3A_137 : vector<1x16xf32> to vector<16xf32>
    %add3A_139 = arith.addf %get3A_133, %get3A_138 : vector<16xf32>
    %swap3A_140 = arith.constant 0 : index
    %swap3A_141 = tpu.vector_load %arg5[%swap3A_140] {strides = array<i32>} : memref<16xf32, #tpu.memory_space<vmem>>, vector<16xf32>,
    %swap3A_142 = vector.shape_cast %swap3A_141 : vector<16xf32> to vector<16xf32>
    %swap3A_143 = vector.shape_cast %add3A_139 : vector<16xf32> to vector<16xf32>
    tpu.vector_store %arg5[%swap3A_140], %swap3A_143 {strides = array<i32>} : memref<16xf32, #tpu.memory_space<vmem>>, vector<16xf32>,
    %add3A_144 = arith.constant 6 : i32
    %add3A_145 = arith.addi %add3A_4, %add3A_144 : i32
    %dma_start3A_146 = arith.constant 0 : i32
    %dma_start3A_147 = tpu.memref_slice %arg2[%add3A_145, %dma_start3A_146] : memref<1024x100000xf32, #tpu.memory_space<hbm>> -> memref<1x100000xf32, #tpu.memory_space<hbm>>
    %dma_start3A_148 = arith.constant 0 : i32
    %dma_start3A_149 = tpu.memref_slice %arg2[%add3A_145, %dma_start3A_148] : memref<1024x100000xf32, #tpu.memory_space<hbm>> -> memref<1x100000xf32, #tpu.memory_space<hbm>>
    tpu.enqueue_dma source(%dma_start3A_149 : memref<1x100000xf32, #tpu.memory_space<hbm>>) target(%arg4 : memref<1x100000xf32, #tpu.memory_space<vmem>>) target_semaphore(%arg6 : memref<!tpu.dma_semaphore, #tpu.memory_space<semaphore_mem>>)
    %dma_wait3A_150 = arith.constant 0 : i32
    %dma_wait3A_151 = tpu.memref_slice %arg2[%add3A_145, %dma_wait3A_150] : memref<1024x100000xf32, #tpu.memory_space<hbm>> -> memref<1x100000xf32, #tpu.memory_space<hbm>>
    %dma_wait3A_152 = arith.constant 0 : i32
    %dma_wait3A_153 = tpu.memref_slice %arg2[%add3A_145, %dma_wait3A_152] : memref<1024x100000xf32, #tpu.memory_space<hbm>> -> memref<1x100000xf32, #tpu.memory_space<hbm>>
    tpu.wait_dma2 semaphore(%arg6 : memref<!tpu.dma_semaphore, #tpu.memory_space<semaphore_mem>>) src(%dma_wait3A_153 : memref<1x100000xf32, #tpu.memory_space<hbm>>) dst(%arg4 : memref<1x100000xf32, #tpu.memory_space<vmem>>)
    %get3A_154 = arith.constant 0 : index
    %get3A_155 = tpu.vector_load %arg5[%get3A_154] {strides = array<i32>} : memref<16xf32, #tpu.memory_space<vmem>>, vector<16xf32>,
    %get3A_156 = vector.shape_cast %get3A_155 : vector<16xf32> to vector<16xf32>
    %get3A_157 = arith.constant 0 : i32
    %get3A_158 = arith.index_cast %get3A_157 : i32 to index
    %get3A_159 = arith.constant 0 : index
    %get3A_160 = tpu.vector_load %arg4[%get3A_158, %get3A_159] {strides = array<i32>} : memref<1x100000xf32, #tpu.memory_space<vmem>>, vector<1x16xf32>,
    %get3A_161 = vector.shape_cast %get3A_160 : vector<1x16xf32> to vector<16xf32>
    %add3A_162 = arith.addf %get3A_156, %get3A_161 : vector<16xf32>
    %swap3A_163 = arith.constant 0 : index
    %swap3A_164 = tpu.vector_load %arg5[%swap3A_163] {strides = array<i32>} : memref<16xf32, #tpu.memory_space<vmem>>, vector<16xf32>,
    %swap3A_165 = vector.shape_cast %swap3A_164 : vector<16xf32> to vector<16xf32>
    %swap3A_166 = vector.shape_cast %add3A_162 : vector<16xf32> to vector<16xf32>
    tpu.vector_store %arg5[%swap3A_163], %swap3A_166 {strides = array<i32>} : memref<16xf32, #tpu.memory_space<vmem>>, vector<16xf32>,
    %add3A_167 = arith.constant 7 : i32
    %add3A_168 = arith.addi %add3A_4, %add3A_167 : i32
    %dma_start3A_169 = arith.constant 0 : i32
    %dma_start3A_170 = tpu.memref_slice %arg2[%add3A_168, %dma_start3A_169] : memref<1024x100000xf32, #tpu.memory_space<hbm>> -> memref<1x100000xf32, #tpu.memory_space<hbm>>
    %dma_start3A_171 = arith.constant 0 : i32
    %dma_start3A_172 = tpu.memref_slice %arg2[%add3A_168, %dma_start3A_171] : memref<1024x100000xf32, #tpu.memory_space<hbm>> -> memref<1x100000xf32, #tpu.memory_space<hbm>>
    tpu.enqueue_dma source(%dma_start3A_172 : memref<1x100000xf32, #tpu.memory_space<hbm>>) target(%arg4 : memref<1x100000xf32, #tpu.memory_space<vmem>>) target_semaphore(%arg6 : memref<!tpu.dma_semaphore, #tpu.memory_space<semaphore_mem>>)
    %dma_wait3A_173 = arith.constant 0 : i32
    %dma_wait3A_174 = tpu.memref_slice %arg2[%add3A_168, %dma_wait3A_173] : memref<1024x100000xf32, #tpu.memory_space<hbm>> -> memref<1x100000xf32, #tpu.memory_space<hbm>>
    %dma_wait3A_175 = arith.constant 0 : i32
    %dma_wait3A_176 = tpu.memref_slice %arg2[%add3A_168, %dma_wait3A_175] : memref<1024x100000xf32, #tpu.memory_space<hbm>> -> memref<1x100000xf32, #tpu.memory_space<hbm>>
    tpu.wait_dma2 semaphore(%arg6 : memref<!tpu.dma_semaphore, #tpu.memory_space<semaphore_mem>>) src(%dma_wait3A_176 : memref<1x100000xf32, #tpu.memory_space<hbm>>) dst(%arg4 : memref<1x100000xf32, #tpu.memory_space<vmem>>)
    %get3A_177 = arith.constant 0 : index
    %get3A_178 = tpu.vector_load %arg5[%get3A_177] {strides = array<i32>} : memref<16xf32, #tpu.memory_space<vmem>>, vector<16xf32>,
    %get3A_179 = vector.shape_cast %get3A_178 : vector<16xf32> to vector<16xf32>
    %get3A_180 = arith.constant 0 : i32
    %get3A_181 = arith.index_cast %get3A_180 : i32 to index
    %get3A_182 = arith.constant 0 : index
    %get3A_183 = tpu.vector_load %arg4[%get3A_181, %get3A_182] {strides = array<i32>} : memref<1x100000xf32, #tpu.memory_space<vmem>>, vector<1x16xf32>,
    %get3A_184 = vector.shape_cast %get3A_183 : vector<1x16xf32> to vector<16xf32>
    %add3A_185 = arith.addf %get3A_179, %get3A_184 : vector<16xf32>
    %swap3A_186 = arith.constant 0 : index
    %swap3A_187 = tpu.vector_load %arg5[%swap3A_186] {strides = array<i32>} : memref<16xf32, #tpu.memory_space<vmem>>, vector<16xf32>,
    %swap3A_188 = vector.shape_cast %swap3A_187 : vector<16xf32> to vector<16xf32>
    %swap3A_189 = vector.shape_cast %add3A_185 : vector<16xf32> to vector<16xf32>
    tpu.vector_store %arg5[%swap3A_186], %swap3A_189 {strides = array<i32>} : memref<16xf32, #tpu.memory_space<vmem>>, vector<16xf32>,
    %add3A_190 = arith.constant 8 : i32
    %add3A_191 = arith.addi %add3A_4, %add3A_190 : i32
    %dma_start3A_192 = arith.constant 0 : i32
    %dma_start3A_193 = tpu.memref_slice %arg2[%add3A_191, %dma_start3A_192] : memref<1024x100000xf32, #tpu.memory_space<hbm>> -> memref<1x100000xf32, #tpu.memory_space<hbm>>
    %dma_start3A_194 = arith.constant 0 : i32
    %dma_start3A_195 = tpu.memref_slice %arg2[%add3A_191, %dma_start3A_194] : memref<1024x100000xf32, #tpu.memory_space<hbm>> -> memref<1x100000xf32, #tpu.memory_space<hbm>>
    tpu.enqueue_dma source(%dma_start3A_195 : memref<1x100000xf32, #tpu.memory_space<hbm>>) target(%arg4 : memref<1x100000xf32, #tpu.memory_space<vmem>>) target_semaphore(%arg6 : memref<!tpu.dma_semaphore, #tpu.memory_space<semaphore_mem>>)
    %dma_wait3A_196 = arith.constant 0 : i32
    %dma_wait3A_197 = tpu.memref_slice %arg2[%add3A_191, %dma_wait3A_196] : memref<1024x100000xf32, #tpu.memory_space<hbm>> -> memref<1x100000xf32, #tpu.memory_space<hbm>>
    %dma_wait3A_198 = arith.constant 0 : i32
    %dma_wait3A_199 = tpu.memref_slice %arg2[%add3A_191, %dma_wait3A_198] : memref<1024x100000xf32, #tpu.memory_space<hbm>> -> memref<1x100000xf32, #tpu.memory_space<hbm>>
    tpu.wait_dma2 semaphore(%arg6 : memref<!tpu.dma_semaphore, #tpu.memory_space<semaphore_mem>>) src(%dma_wait3A_199 : memref<1x100000xf32, #tpu.memory_space<hbm>>) dst(%arg4 : memref<1x100000xf32, #tpu.memory_space<vmem>>)
    %get3A_200 = arith.constant 0 : index
    %get3A_201 = tpu.vector_load %arg5[%get3A_200] {strides = array<i32>} : memref<16xf32, #tpu.memory_space<vmem>>, vector<16xf32>,
    %get3A_202 = vector.shape_cast %get3A_201 : vector<16xf32> to vector<16xf32>
    %get3A_203 = arith.constant 0 : i32
    %get3A_204 = arith.index_cast %get3A_203 : i32 to index
    %get3A_205 = arith.constant 0 : index
    %get3A_206 = tpu.vector_load %arg4[%get3A_204, %get3A_205] {strides = array<i32>} : memref<1x100000xf32, #tpu.memory_space<vmem>>, vector<1x16xf32>,
    %get3A_207 = vector.shape_cast %get3A_206 : vector<1x16xf32> to vector<16xf32>
    %add3A_208 = arith.addf %get3A_202, %get3A_207 : vector<16xf32>
    %swap3A_209 = arith.constant 0 : index
    %swap3A_210 = tpu.vector_load %arg5[%swap3A_209] {strides = array<i32>} : memref<16xf32, #tpu.memory_space<vmem>>, vector<16xf32>,
    %swap3A_211 = vector.shape_cast %swap3A_210 : vector<16xf32> to vector<16xf32>
    %swap3A_212 = vector.shape_cast %add3A_208 : vector<16xf32> to vector<16xf32>
    tpu.vector_store %arg5[%swap3A_209], %swap3A_212 {strides = array<i32>} : memref<16xf32, #tpu.memory_space<vmem>>, vector<16xf32>,
    %add3A_213 = arith.constant 9 : i32
    %add3A_214 = arith.addi %add3A_4, %add3A_213 : i32
    %dma_start3A_215 = arith.constant 0 : i32
    %dma_start3A_216 = tpu.memref_slice %arg2[%add3A_214, %dma_start3A_215] : memref<1024x100000xf32, #tpu.memory_space<hbm>> -> memref<1x100000xf32, #tpu.memory_space<hbm>>
    %dma_start3A_217 = arith.constant 0 : i32
    %dma_start3A_218 = tpu.memref_slice %arg2[%add3A_214, %dma_start3A_217] : memref<1024x100000xf32, #tpu.memory_space<hbm>> -> memref<1x100000xf32, #tpu.memory_space<hbm>>
    tpu.enqueue_dma source(%dma_start3A_218 : memref<1x100000xf32, #tpu.memory_space<hbm>>) target(%arg4 : memref<1x100000xf32, #tpu.memory_space<vmem>>) target_semaphore(%arg6 : memref<!tpu.dma_semaphore, #tpu.memory_space<semaphore_mem>>)
    %dma_wait3A_219 = arith.constant 0 : i32
    %dma_wait3A_220 = tpu.memref_slice %arg2[%add3A_214, %dma_wait3A_219] : memref<1024x100000xf32, #tpu.memory_space<hbm>> -> memref<1x100000xf32, #tpu.memory_space<hbm>>
    %dma_wait3A_221 = arith.constant 0 : i32
    %dma_wait3A_222 = tpu.memref_slice %arg2[%add3A_214, %dma_wait3A_221] : memref<1024x100000xf32, #tpu.memory_space<hbm>> -> memref<1x100000xf32, #tpu.memory_space<hbm>>
    tpu.wait_dma2 semaphore(%arg6 : memref<!tpu.dma_semaphore, #tpu.memory_space<semaphore_mem>>) src(%dma_wait3A_222 : memref<1x100000xf32, #tpu.memory_space<hbm>>) dst(%arg4 : memref<1x100000xf32, #tpu.memory_space<vmem>>)
    %get3A_223 = arith.constant 0 : index
    %get3A_224 = tpu.vector_load %arg5[%get3A_223] {strides = array<i32>} : memref<16xf32, #tpu.memory_space<vmem>>, vector<16xf32>,
    %get3A_225 = vector.shape_cast %get3A_224 : vector<16xf32> to vector<16xf32>
    %get3A_226 = arith.constant 0 : i32
    %get3A_227 = arith.index_cast %get3A_226 : i32 to index
    %get3A_228 = arith.constant 0 : index
    %get3A_229 = tpu.vector_load %arg4[%get3A_227, %get3A_228] {strides = array<i32>} : memref<1x100000xf32, #tpu.memory_space<vmem>>, vector<1x16xf32>,
    %get3A_230 = vector.shape_cast %get3A_229 : vector<1x16xf32> to vector<16xf32>
    %add3A_231 = arith.addf %get3A_225, %get3A_230 : vector<16xf32>
    %swap3A_232 = arith.constant 0 : index
    %swap3A_233 = tpu.vector_load %arg5[%swap3A_232] {strides = array<i32>} : memref<16xf32, #tpu.memory_space<vmem>>, vector<16xf32>,
    %swap3A_234 = vector.shape_cast %swap3A_233 : vector<16xf32> to vector<16xf32>
    %swap3A_235 = vector.shape_cast %add3A_231 : vector<16xf32> to vector<16xf32>
    tpu.vector_store %arg5[%swap3A_232], %swap3A_235 {strides = array<i32>} : memref<16xf32, #tpu.memory_space<vmem>>, vector<16xf32>,
    %add3A_236 = arith.constant 10 : i32
    %add3A_237 = arith.addi %add3A_4, %add3A_236 : i32
    %dma_start3A_238 = arith.constant 0 : i32
    %dma_start3A_239 = tpu.memref_slice %arg2[%add3A_237, %dma_start3A_238] : memref<1024x100000xf32, #tpu.memory_space<hbm>> -> memref<1x100000xf32, #tpu.memory_space<hbm>>
    %dma_start3A_240 = arith.constant 0 : i32
    %dma_start3A_241 = tpu.memref_slice %arg2[%add3A_237, %dma_start3A_240] : memref<1024x100000xf32, #tpu.memory_space<hbm>> -> memref<1x100000xf32, #tpu.memory_space<hbm>>
    tpu.enqueue_dma source(%dma_start3A_241 : memref<1x100000xf32, #tpu.memory_space<hbm>>) target(%arg4 : memref<1x100000xf32, #tpu.memory_space<vmem>>) target_semaphore(%arg6 : memref<!tpu.dma_semaphore, #tpu.memory_space<semaphore_mem>>)
    %dma_wait3A_242 = arith.constant 0 : i32
    %dma_wait3A_243 = tpu.memref_slice %arg2[%add3A_237, %dma_wait3A_242] : memref<1024x100000xf32, #tpu.memory_space<hbm>> -> memref<1x100000xf32, #tpu.memory_space<hbm>>
    %dma_wait3A_244 = arith.constant 0 : i32
    %dma_wait3A_245 = tpu.memref_slice %arg2[%add3A_237, %dma_wait3A_244] : memref<1024x100000xf32, #tpu.memory_space<hbm>> -> memref<1x100000xf32, #tpu.memory_space<hbm>>
    tpu.wait_dma2 semaphore(%arg6 : memref<!tpu.dma_semaphore, #tpu.memory_space<semaphore_mem>>) src(%dma_wait3A_245 : memref<1x100000xf32, #tpu.memory_space<hbm>>) dst(%arg4 : memref<1x100000xf32, #tpu.memory_space<vmem>>)
    %get3A_246 = arith.constant 0 : index
    %get3A_247 = tpu.vector_load %arg5[%get3A_246] {strides = array<i32>} : memref<16xf32, #tpu.memory_space<vmem>>, vector<16xf32>,
    %get3A_248 = vector.shape_cast %get3A_247 : vector<16xf32> to vector<16xf32>
    %get3A_249 = arith.constant 0 : i32
    %get3A_250 = arith.index_cast %get3A_249 : i32 to index
    %get3A_251 = arith.constant 0 : index
    %get3A_252 = tpu.vector_load %arg4[%get3A_250, %get3A_251] {strides = array<i32>} : memref<1x100000xf32, #tpu.memory_space<vmem>>, vector<1x16xf32>,
    %get3A_253 = vector.shape_cast %get3A_252 : vector<1x16xf32> to vector<16xf32>
    %add3A_254 = arith.addf %get3A_248, %get3A_253 : vector<16xf32>
    %swap3A_255 = arith.constant 0 : index
    %swap3A_256 = tpu.vector_load %arg5[%swap3A_255] {strides = array<i32>} : memref<16xf32, #tpu.memory_space<vmem>>, vector<16xf32>,
    %swap3A_257 = vector.shape_cast %swap3A_256 : vector<16xf32> to vector<16xf32>
    %swap3A_258 = vector.shape_cast %add3A_254 : vector<16xf32> to vector<16xf32>
    tpu.vector_store %arg5[%swap3A_255], %swap3A_258 {strides = array<i32>} : memref<16xf32, #tpu.memory_space<vmem>>, vector<16xf32>,
    %add3A_259 = arith.constant 11 : i32
    %add3A_260 = arith.addi %add3A_4, %add3A_259 : i32
    %dma_start3A_261 = arith.constant 0 : i32
    %dma_start3A_262 = tpu.memref_slice %arg2[%add3A_260, %dma_start3A_261] : memref<1024x100000xf32, #tpu.memory_space<hbm>> -> memref<1x100000xf32, #tpu.memory_space<hbm>>
    %dma_start3A_263 = arith.constant 0 : i32
    %dma_start3A_264 = tpu.memref_slice %arg2[%add3A_260, %dma_start3A_263] : memref<1024x100000xf32, #tpu.memory_space<hbm>> -> memref<1x100000xf32, #tpu.memory_space<hbm>>
    tpu.enqueue_dma source(%dma_start3A_264 : memref<1x100000xf32, #tpu.memory_space<hbm>>) target(%arg4 : memref<1x100000xf32, #tpu.memory_space<vmem>>) target_semaphore(%arg6 : memref<!tpu.dma_semaphore, #tpu.memory_space<semaphore_mem>>)
    %dma_wait3A_265 = arith.constant 0 : i32
    %dma_wait3A_266 = tpu.memref_slice %arg2[%add3A_260, %dma_wait3A_265] : memref<1024x100000xf32, #tpu.memory_space<hbm>> -> memref<1x100000xf32, #tpu.memory_space<hbm>>
    %dma_wait3A_267 = arith.constant 0 : i32
    %dma_wait3A_268 = tpu.memref_slice %arg2[%add3A_260, %dma_wait3A_267] : memref<1024x100000xf32, #tpu.memory_space<hbm>> -> memref<1x100000xf32, #tpu.memory_space<hbm>>
    tpu.wait_dma2 semaphore(%arg6 : memref<!tpu.dma_semaphore, #tpu.memory_space<semaphore_mem>>) src(%dma_wait3A_268 : memref<1x100000xf32, #tpu.memory_space<hbm>>) dst(%arg4 : memref<1x100000xf32, #tpu.memory_space<vmem>>)
    %get3A_269 = arith.constant 0 : index
    %get3A_270 = tpu.vector_load %arg5[%get3A_269] {strides = array<i32>} : memref<16xf32, #tpu.memory_space<vmem>>, vector<16xf32>,
    %get3A_271 = vector.shape_cast %get3A_270 : vector<16xf32> to vector<16xf32>
    %get3A_272 = arith.constant 0 : i32
    %get3A_273 = arith.index_cast %get3A_272 : i32 to index
    %get3A_274 = arith.constant 0 : index
    %get3A_275 = tpu.vector_load %arg4[%get3A_273, %get3A_274] {strides = array<i32>} : memref<1x100000xf32, #tpu.memory_space<vmem>>, vector<1x16xf32>,
    %get3A_276 = vector.shape_cast %get3A_275 : vector<1x16xf32> to vector<16xf32>
    %add3A_277 = arith.addf %get3A_271, %get3A_276 : vector<16xf32>
    %swap3A_278 = arith.constant 0 : index
    %swap3A_279 = tpu.vector_load %arg5[%swap3A_278] {strides = array<i32>} : memref<16xf32, #tpu.memory_space<vmem>>, vector<16xf32>,
    %swap3A_280 = vector.shape_cast %swap3A_279 : vector<16xf32> to vector<16xf32>
    %swap3A_281 = vector.shape_cast %add3A_277 : vector<16xf32> to vector<16xf32>
    tpu.vector_store %arg5[%swap3A_278], %swap3A_281 {strides = array<i32>} : memref<16xf32, #tpu.memory_space<vmem>>, vector<16xf32>,
    %add3A_282 = arith.constant 12 : i32
    %add3A_283 = arith.addi %add3A_4, %add3A_282 : i32
    %dma_start3A_284 = arith.constant 0 : i32
    %dma_start3A_285 = tpu.memref_slice %arg2[%add3A_283, %dma_start3A_284] : memref<1024x100000xf32, #tpu.memory_space<hbm>> -> memref<1x100000xf32, #tpu.memory_space<hbm>>
    %dma_start3A_286 = arith.constant 0 : i32
    %dma_start3A_287 = tpu.memref_slice %arg2[%add3A_283, %dma_start3A_286] : memref<1024x100000xf32, #tpu.memory_space<hbm>> -> memref<1x100000xf32, #tpu.memory_space<hbm>>
    tpu.enqueue_dma source(%dma_start3A_287 : memref<1x100000xf32, #tpu.memory_space<hbm>>) target(%arg4 : memref<1x100000xf32, #tpu.memory_space<vmem>>) target_semaphore(%arg6 : memref<!tpu.dma_semaphore, #tpu.memory_space<semaphore_mem>>)
    %dma_wait3A_288 = arith.constant 0 : i32
    %dma_wait3A_289 = tpu.memref_slice %arg2[%add3A_283, %dma_wait3A_288] : memref<1024x100000xf32, #tpu.memory_space<hbm>> -> memref<1x100000xf32, #tpu.memory_space<hbm>>
    %dma_wait3A_290 = arith.constant 0 : i32
    %dma_wait3A_291 = tpu.memref_slice %arg2[%add3A_283, %dma_wait3A_290] : memref<1024x100000xf32, #tpu.memory_space<hbm>> -> memref<1x100000xf32, #tpu.memory_space<hbm>>
    tpu.wait_dma2 semaphore(%arg6 : memref<!tpu.dma_semaphore, #tpu.memory_space<semaphore_mem>>) src(%dma_wait3A_291 : memref<1x100000xf32, #tpu.memory_space<hbm>>) dst(%arg4 : memref<1x100000xf32, #tpu.memory_space<vmem>>)
    %get3A_292 = arith.constant 0 : index
    %get3A_293 = tpu.vector_load %arg5[%get3A_292] {strides = array<i32>} : memref<16xf32, #tpu.memory_space<vmem>>, vector<16xf32>,
    %get3A_294 = vector.shape_cast %get3A_293 : vector<16xf32> to vector<16xf32>
    %get3A_295 = arith.constant 0 : i32
    %get3A_296 = arith.index_cast %get3A_295 : i32 to index
    %get3A_297 = arith.constant 0 : index
    %get3A_298 = tpu.vector_load %arg4[%get3A_296, %get3A_297] {strides = array<i32>} : memref<1x100000xf32, #tpu.memory_space<vmem>>, vector<1x16xf32>,
    %get3A_299 = vector.shape_cast %get3A_298 : vector<1x16xf32> to vector<16xf32>
    %add3A_300 = arith.addf %get3A_294, %get3A_299 : vector<16xf32>
    %swap3A_301 = arith.constant 0 : index
    %swap3A_302 = tpu.vector_load %arg5[%swap3A_301] {strides = array<i32>} : memref<16xf32, #tpu.memory_space<vmem>>, vector<16xf32>,
    %swap3A_303 = vector.shape_cast %swap3A_302 : vector<16xf32> to vector<16xf32>
    %swap3A_304 = vector.shape_cast %add3A_300 : vector<16xf32> to vector<16xf32>
    tpu.vector_store %arg5[%swap3A_301], %swap3A_304 {strides = array<i32>} : memref<16xf32, #tpu.memory_space<vmem>>, vector<16xf32>,
    %add3A_305 = arith.constant 13 : i32
    %add3A_306 = arith.addi %add3A_4, %add3A_305 : i32
    %dma_start3A_307 = arith.constant 0 : i32
    %dma_start3A_308 = tpu.memref_slice %arg2[%add3A_306, %dma_start3A_307] : memref<1024x100000xf32, #tpu.memory_space<hbm>> -> memref<1x100000xf32, #tpu.memory_space<hbm>>
    %dma_start3A_309 = arith.constant 0 : i32
    %dma_start3A_310 = tpu.memref_slice %arg2[%add3A_306, %dma_start3A_309] : memref<1024x100000xf32, #tpu.memory_space<hbm>> -> memref<1x100000xf32, #tpu.memory_space<hbm>>
    tpu.enqueue_dma source(%dma_start3A_310 : memref<1x100000xf32, #tpu.memory_space<hbm>>) target(%arg4 : memref<1x100000xf32, #tpu.memory_space<vmem>>) target_semaphore(%arg6 : memref<!tpu.dma_semaphore, #tpu.memory_space<semaphore_mem>>)
    %dma_wait3A_311 = arith.constant 0 : i32
    %dma_wait3A_312 = tpu.memref_slice %arg2[%add3A_306, %dma_wait3A_311] : memref<1024x100000xf32, #tpu.memory_space<hbm>> -> memref<1x100000xf32, #tpu.memory_space<hbm>>
    %dma_wait3A_313 = arith.constant 0 : i32
    %dma_wait3A_314 = tpu.memref_slice %arg2[%add3A_306, %dma_wait3A_313] : memref<1024x100000xf32, #tpu.memory_space<hbm>> -> memref<1x100000xf32, #tpu.memory_space<hbm>>
    tpu.wait_dma2 semaphore(%arg6 : memref<!tpu.dma_semaphore, #tpu.memory_space<semaphore_mem>>) src(%dma_wait3A_314 : memref<1x100000xf32, #tpu.memory_space<hbm>>) dst(%arg4 : memref<1x100000xf32, #tpu.memory_space<vmem>>)
    %get3A_315 = arith.constant 0 : index
    %get3A_316 = tpu.vector_load %arg5[%get3A_315] {strides = array<i32>} : memref<16xf32, #tpu.memory_space<vmem>>, vector<16xf32>,
    %get3A_317 = vector.shape_cast %get3A_316 : vector<16xf32> to vector<16xf32>
    %get3A_318 = arith.constant 0 : i32
    %get3A_319 = arith.index_cast %get3A_318 : i32 to index
    %get3A_320 = arith.constant 0 : index
    %get3A_321 = tpu.vector_load %arg4[%get3A_319, %get3A_320] {strides = array<i32>} : memref<1x100000xf32, #tpu.memory_space<vmem>>, vector<1x16xf32>,
    %get3A_322 = vector.shape_cast %get3A_321 : vector<1x16xf32> to vector<16xf32>
    %add3A_323 = arith.addf %get3A_317, %get3A_322 : vector<16xf32>
    %swap3A_324 = arith.constant 0 : index
    %swap3A_325 = tpu.vector_load %arg5[%swap3A_324] {strides = array<i32>} : memref<16xf32, #tpu.memory_space<vmem>>, vector<16xf32>,
    %swap3A_326 = vector.shape_cast %swap3A_325 : vector<16xf32> to vector<16xf32>
    %swap3A_327 = vector.shape_cast %add3A_323 : vector<16xf32> to vector<16xf32>
    tpu.vector_store %arg5[%swap3A_324], %swap3A_327 {strides = array<i32>} : memref<16xf32, #tpu.memory_space<vmem>>, vector<16xf32>,
    %add3A_328 = arith.constant 14 : i32
    %add3A_329 = arith.addi %add3A_4, %add3A_328 : i32
    %dma_start3A_330 = arith.constant 0 : i32
    %dma_start3A_331 = tpu.memref_slice %arg2[%add3A_329, %dma_start3A_330] : memref<1024x100000xf32, #tpu.memory_space<hbm>> -> memref<1x100000xf32, #tpu.memory_space<hbm>>
    %dma_start3A_332 = arith.constant 0 : i32
    %dma_start3A_333 = tpu.memref_slice %arg2[%add3A_329, %dma_start3A_332] : memref<1024x100000xf32, #tpu.memory_space<hbm>> -> memref<1x100000xf32, #tpu.memory_space<hbm>>
    tpu.enqueue_dma source(%dma_start3A_333 : memref<1x100000xf32, #tpu.memory_space<hbm>>) target(%arg4 : memref<1x100000xf32, #tpu.memory_space<vmem>>) target_semaphore(%arg6 : memref<!tpu.dma_semaphore, #tpu.memory_space<semaphore_mem>>)
    %dma_wait3A_334 = arith.constant 0 : i32
    %dma_wait3A_335 = tpu.memref_slice %arg2[%add3A_329, %dma_wait3A_334] : memref<1024x100000xf32, #tpu.memory_space<hbm>> -> memref<1x100000xf32, #tpu.memory_space<hbm>>
    %dma_wait3A_336 = arith.constant 0 : i32
    %dma_wait3A_337 = tpu.memref_slice %arg2[%add3A_329, %dma_wait3A_336] : memref<1024x100000xf32, #tpu.memory_space<hbm>> -> memref<1x100000xf32, #tpu.memory_space<hbm>>
    tpu.wait_dma2 semaphore(%arg6 : memref<!tpu.dma_semaphore, #tpu.memory_space<semaphore_mem>>) src(%dma_wait3A_337 : memref<1x100000xf32, #tpu.memory_space<hbm>>) dst(%arg4 : memref<1x100000xf32, #tpu.memory_space<vmem>>)
    %get3A_338 = arith.constant 0 : index
    %get3A_339 = tpu.vector_load %arg5[%get3A_338] {strides = array<i32>} : memref<16xf32, #tpu.memory_space<vmem>>, vector<16xf32>,
    %get3A_340 = vector.shape_cast %get3A_339 : vector<16xf32> to vector<16xf32>
    %get3A_341 = arith.constant 0 : i32
    %get3A_342 = arith.index_cast %get3A_341 : i32 to index
    %get3A_343 = arith.constant 0 : index
    %get3A_344 = tpu.vector_load %arg4[%get3A_342, %get3A_343] {strides = array<i32>} : memref<1x100000xf32, #tpu.memory_space<vmem>>, vector<1x16xf32>,
    %get3A_345 = vector.shape_cast %get3A_344 : vector<1x16xf32> to vector<16xf32>
    %add3A_346 = arith.addf %get3A_340, %get3A_345 : vector<16xf32>
    %swap3A_347 = arith.constant 0 : index
    %swap3A_348 = tpu.vector_load %arg5[%swap3A_347] {strides = array<i32>} : memref<16xf32, #tpu.memory_space<vmem>>, vector<16xf32>,
    %swap3A_349 = vector.shape_cast %swap3A_348 : vector<16xf32> to vector<16xf32>
    %swap3A_350 = vector.shape_cast %add3A_346 : vector<16xf32> to vector<16xf32>
    tpu.vector_store %arg5[%swap3A_347], %swap3A_350 {strides = array<i32>} : memref<16xf32, #tpu.memory_space<vmem>>, vector<16xf32>,
    %add3A_351 = arith.constant 15 : i32
    %add3A_352 = arith.addi %add3A_4, %add3A_351 : i32
    %dma_start3A_353 = arith.constant 0 : i32
    %dma_start3A_354 = tpu.memref_slice %arg2[%add3A_352, %dma_start3A_353] : memref<1024x100000xf32, #tpu.memory_space<hbm>> -> memref<1x100000xf32, #tpu.memory_space<hbm>>
    %dma_start3A_355 = arith.constant 0 : i32
    %dma_start3A_356 = tpu.memref_slice %arg2[%add3A_352, %dma_start3A_355] : memref<1024x100000xf32, #tpu.memory_space<hbm>> -> memref<1x100000xf32, #tpu.memory_space<hbm>>
    tpu.enqueue_dma source(%dma_start3A_356 : memref<1x100000xf32, #tpu.memory_space<hbm>>) target(%arg4 : memref<1x100000xf32, #tpu.memory_space<vmem>>) target_semaphore(%arg6 : memref<!tpu.dma_semaphore, #tpu.memory_space<semaphore_mem>>)
    %dma_wait3A_357 = arith.constant 0 : i32
    %dma_wait3A_358 = tpu.memref_slice %arg2[%add3A_352, %dma_wait3A_357] : memref<1024x100000xf32, #tpu.memory_space<hbm>> -> memref<1x100000xf32, #tpu.memory_space<hbm>>
    %dma_wait3A_359 = arith.constant 0 : i32
    %dma_wait3A_360 = tpu.memref_slice %arg2[%add3A_352, %dma_wait3A_359] : memref<1024x100000xf32, #tpu.memory_space<hbm>> -> memref<1x100000xf32, #tpu.memory_space<hbm>>
    tpu.wait_dma2 semaphore(%arg6 : memref<!tpu.dma_semaphore, #tpu.memory_space<semaphore_mem>>) src(%dma_wait3A_360 : memref<1x100000xf32, #tpu.memory_space<hbm>>) dst(%arg4 : memref<1x100000xf32, #tpu.memory_space<vmem>>)
    %get3A_361 = arith.constant 0 : index
    %get3A_362 = tpu.vector_load %arg5[%get3A_361] {strides = array<i32>} : memref<16xf32, #tpu.memory_space<vmem>>, vector<16xf32>,
    %get3A_363 = vector.shape_cast %get3A_362 : vector<16xf32> to vector<16xf32>
    %get3A_364 = arith.constant 0 : i32
    %get3A_365 = arith.index_cast %get3A_364 : i32 to index
    %get3A_366 = arith.constant 0 : index
    %get3A_367 = tpu.vector_load %arg4[%get3A_365, %get3A_366] {strides = array<i32>} : memref<1x100000xf32, #tpu.memory_space<vmem>>, vector<1x16xf32>,
    %get3A_368 = vector.shape_cast %get3A_367 : vector<1x16xf32> to vector<16xf32>
    %add3A_369 = arith.addf %get3A_363, %get3A_368 : vector<16xf32>
    %swap3A_370 = arith.constant 0 : index
    %swap3A_371 = tpu.vector_load %arg5[%swap3A_370] {strides = array<i32>} : memref<16xf32, #tpu.memory_space<vmem>>, vector<16xf32>,
    %swap3A_372 = vector.shape_cast %swap3A_371 : vector<16xf32> to vector<16xf32>
    %swap3A_373 = vector.shape_cast %add3A_369 : vector<16xf32> to vector<16xf32>
    tpu.vector_store %arg5[%swap3A_370], %swap3A_373 {strides = array<i32>} : memref<16xf32, #tpu.memory_space<vmem>>, vector<16xf32>,
    "tpu.region"() ({
      %run_scoped3A = tpu.sem_alloc : memref<!tpu.dma_semaphore, #tpu.memory_space<semaphore_mem>>
      %dma_start3A_374 = arith.constant 0 : i32
      %dma_start3A_375 = tpu.memref_slice %arg3[%add3A, %dma_start3A_374] : memref<32x16xf32, #tpu.memory_space<hbm>> -> memref<1x16xf32, #tpu.memory_space<hbm>>
      %dma_start3A_376 = tpu.memref_squeeze %dma_start3A_375 : memref<1x16xf32, #tpu.memory_space<hbm>> -> memref<16xf32, #tpu.memory_space<hbm>>
      %dma_start3A_377 = arith.constant 0 : i32
      %dma_start3A_378 = tpu.memref_slice %arg3[%add3A, %dma_start3A_377] : memref<32x16xf32, #tpu.memory_space<hbm>> -> memref<1x16xf32, #tpu.memory_space<hbm>>
      %dma_start3A_379 = tpu.memref_squeeze %dma_start3A_378 : memref<1x16xf32, #tpu.memory_space<hbm>> -> memref<16xf32, #tpu.memory_space<hbm>>
      tpu.enqueue_dma source(%arg5 : memref<16xf32, #tpu.memory_space<vmem>>) target(%dma_start3A_379 : memref<16xf32, #tpu.memory_space<hbm>>) target_semaphore(%run_scoped3A : memref<!tpu.dma_semaphore, #tpu.memory_space<semaphore_mem>>)
      %dma_wait3A_380 = arith.constant 0 : i32
      %dma_wait3A_381 = tpu.memref_slice %arg3[%add3A, %dma_wait3A_380] : memref<32x16xf32, #tpu.memory_space<hbm>> -> memref<1x16xf32, #tpu.memory_space<hbm>>
      %dma_wait3A_382 = tpu.memref_squeeze %dma_wait3A_381 : memref<1x16xf32, #tpu.memory_space<hbm>> -> memref<16xf32, #tpu.memory_space<hbm>>
      %dma_wait3A_383 = arith.constant 0 : i32
      %dma_wait3A_384 = tpu.memref_slice %arg3[%add3A, %dma_wait3A_383] : memref<32x16xf32, #tpu.memory_space<hbm>> -> memref<1x16xf32, #tpu.memory_space<hbm>>
      %dma_wait3A_385 = tpu.memref_squeeze %dma_wait3A_384 : memref<1x16xf32, #tpu.memory_space<hbm>> -> memref<16xf32, #tpu.memory_space<hbm>>
      tpu.wait_dma2 semaphore(%run_scoped3A : memref<!tpu.dma_semaphore, #tpu.memory_space<semaphore_mem>>) src(%arg5 : memref<16xf32, #tpu.memory_space<vmem>>) dst(%dma_wait3A_385 : memref<16xf32, #tpu.memory_space<hbm>>)
      tpu.yield
    }) : () -> ()
    return
  }
}

module attributes {stable_mosaic.version = 14 : i64} {
  func.func @_tc_body(%arg0: i32, %arg1: memref<16x100000xf32, #tpu.memory_space<vmem>>, %arg2: memref<16x100000xf32, #tpu.memory_space<vmem>>, %arg3: memref<16x1xf32, #tpu.memory_space<vmem>>, %arg4: memref<16x1xf32, #tpu.memory_space<vmem>>) attributes {dimension_semantics = [#tpu.dimension_semantics<parallel>], iteration_bounds = array<i64: 16>, scalar_prefetch = 0 : i64, scratch_operands = 0 : i64, tpu.core_type = #tpu.core_type<tc>, window_params = [{transform_indices = @transform_0, window_bounds = array<i64: 16, 100000>}, {transform_indices = @transform_1, window_bounds = array<i64: 16, 100000>}, {transform_indices = @transform_2, window_bounds = array<i64: 16, 1>}, {transform_indices = @transform_3, window_bounds = array<i64: 16, 1>}]} {
    %get3A = arith.constant 0 : index
    %get3A_0 = arith.constant 0 : index
    %get3A_1 = vector.load %arg1[%get3A, %get3A_0] : memref<16x100000xf32, #tpu.memory_space<vmem>>, vector<16x100000xf32>
    %reduce_max3A = arith.constant dense<0xFF800000> : vector<16xf32>
    %reduce_max3A_2 = vector.multi_reduction <maximumf>, %get3A_1, %reduce_max3A [1] : vector<16x100000xf32> to vector<16xf32>
    %broadcast_in_dim3A = vector.shape_cast %reduce_max3A_2 : vector<16xf32> to vector<16x1xf32>
    %swap3A = arith.constant 0 : index
    %swap3A_3 = arith.constant 0 : index
    %swap3A_4 = vector.load %arg3[%swap3A, %swap3A_3] : memref<16x1xf32, #tpu.memory_space<vmem>>, vector<16x1xf32>
    tpu.vector_store %arg3[%swap3A, %swap3A_3], %broadcast_in_dim3A {strides = array<i32>} : memref<16x1xf32, #tpu.memory_space<vmem>>, vector<16x1xf32>,
    %get3A_5 = arith.constant 0 : index
    %get3A_6 = arith.constant 0 : index
    %get3A_7 = vector.load %arg2[%get3A_5, %get3A_6] : memref<16x100000xf32, #tpu.memory_space<vmem>>, vector<16x100000xf32>
    %reduce_max3A_8 = arith.constant dense<0xFF800000> : vector<16xf32>
    %reduce_max3A_9 = vector.multi_reduction <maximumf>, %get3A_7, %reduce_max3A_8 [1] : vector<16x100000xf32> to vector<16xf32>
    %broadcast_in_dim3A_10 = vector.shape_cast %reduce_max3A_9 : vector<16xf32> to vector<16x1xf32>
    %swap3A_11 = arith.constant 0 : index
    %swap3A_12 = arith.constant 0 : index
    %swap3A_13 = vector.load %arg4[%swap3A_11, %swap3A_12] : memref<16x1xf32, #tpu.memory_space<vmem>>, vector<16x1xf32>
    tpu.vector_store %arg4[%swap3A_11, %swap3A_12], %broadcast_in_dim3A_10 {strides = array<i32>} : memref<16x1xf32, #tpu.memory_space<vmem>>, vector<16x1xf32>,
    return
  }
  func.func @transform_0(%arg0: i32) -> (i32, i32) {
    %mul3A = arith.constant 2 : i32
    %mul3A_0 = arith.muli %mul3A, %arg0 : i32
    %c0_i32 = arith.constant 0 : i32
    %c0_i32_1 = arith.constant 0 : i32
    return %mul3A_0, %c0_i32 : i32, i32
  }
  func.func @transform_1(%arg0: i32) -> (i32, i32) {
    %mul3A = arith.constant 2 : i32
    %mul3A_0 = arith.muli %mul3A, %arg0 : i32
    %add3A = arith.constant 1 : i32
    %add3A_1 = arith.addi %mul3A_0, %add3A : i32
    %c0_i32 = arith.constant 0 : i32
    %c0_i32_2 = arith.constant 0 : i32
    return %add3A_1, %c0_i32 : i32, i32
  }
  func.func @transform_2(%arg0: i32) -> (i32, i32) {
    %c0_i32 = arith.constant 0 : i32
    %c0_i32_0 = arith.constant 0 : i32
    return %arg0, %c0_i32 : i32, i32
  }
  func.func @transform_3(%arg0: i32) -> (i32, i32) {
    %c0_i32 = arith.constant 0 : i32
    %c0_i32_0 = arith.constant 0 : i32
    return %arg0, %c0_i32 : i32, i32
  }
}

</mosaic_0001>

<sc_bundles>
// kernel: kernel.4.cloned.1.call-start
scs
__scs_entry_jumppad:
0x0: {  	(pc) =	sbr.rel $0x88, $3  }
0x1: {  	(tag) =	ssettag $0x0;
	lr =	simm.s32 $0x1  }
0x2: {  	[smem:$0x3FA0] =	sst lr;
	_ =	strace $0xD0000000  }
0x3: {  	_ = 	snop  }
0x4: {  	_ = 	snop  }
0x5: {  	_ = 	snop  }
0x6: {  	_ = 	snop  }
0x7: {  	_ = 	snop  }
__scs_overlays_trampoline_lowered:
0x8: {  	[smem:$0x3FAF] =	sst s0  }
0x9: {  	[smem:$0x3FB0] =	sst s1  }
0xa: {  	[smem:$0x3FB1] =	sst s2  }
0xb: {  	[smem:$0x3FB2] =	sst s3  }
0xc: {  	[smem:$0x3FB3] =	sst s4  }
0xd: {  	[smem:$0x3FB4] =	sst s5  }
0xe: {  	[smem:$0x3FB5] =	sst s6  }
0xf: {  	[smem:$0x3FB6] =	sst s7  }
0x10: {  	[smem:$0x3FB7] =	sst s8  }
0x11: {  	[smem:$0x3FB8] =	sst s9;
	s0 =	simm.s32 @!p0 $0x0  }
0x12: {  	s1 =	sld [smem:$0x3F9E];
	s0 =	simm.s32 @p0 $0x1  }
0x13: {  	[smem:$0x3FB9] =	sst s0;
	s0 =	simm.s32 @!p1 $0x0  }
0x14: {  	s2 =	sld [smem:$0x3F9D];
	s0 =	simm.s32 @p1 $0x1  }
0x15: {  	[smem:$0x3FBA] =	sst s0;
	s0 =	simm.s32 @!p2 $0x0  }
0x16: {  	s3 =	sld [smem:$0x3FDB];
	s0 =	simm.s32 @p2 $0x1  }
0x17: {  	s4 =	simm.s32 $0x1BF5;
	[smem:$0x3FBC] =	sst s0  }
0x18: {  	s0 =	sld [smem:$0x3F9F];
	_ =	swait.ge [sflag:s4], $0x0  }
0x19: {  	s7 =	sld [smem:$0x3FA0]  }
0x1a: {  	s8 =	sadd.s32 $0xFFFFE003, lr  }
0x1b: {  	s9 =	sadd.s32 $0xFFFFFEF7, lr;
	s5 =	simm.s32 $0xFFFFFFFF;
	p2 =	slt.u32 s8, $0xFFFFF086  }
0x1c: {  	p1 =	slt.u32 s9, $0xF7A;
	s5 =	simm.s32 @!p2 $0x0  }
0x1d: {  	s5 =	simm.s32 @p1 $0x1;
	p0 =	seq.s32 s7, s2  }
0x1e: {  	s7 =	smul.u32 @!p0 $0xF7A, s2;
	p2 =	seq.s32 @!p0 s5, $0x0  }
0x1f: {  	s9 =	smul.u32 $0xF7A, s1;
	s8 =	simm.s32 @!p0 $0x1BF5;
	p2 =	por !p2, p0  }
0x20: {  	[sflag:s8] =	ssyncset.s32 @!p0 $0xFFFFF086;
	s6 =	sadd.s32 @!p0 s3, s7;
	s7 =	simm.s32 @!p0 $0x108  }
0x21: {  	s3 =	sadd.s32 s3, s9;
	s6 =	sadd.s32 @!p0 $0x88, s6;
	s7 =	simm.s32 @p2 $0x1082  }
0x22: {  	[simem:s7], [sflag:s8] =	dma.local @!p0 [hbm:s6], $0xF7A  }
0x23: {  	s9 =	sor.u32 $0xD0000000, s2;
	s6 =	simm.s32 $0x108;
	_ =	swait.ge @!p0 [sflag:s8], $0x0  }
0x24: {  	s3 =	sadd.s32 $0x88, s3;
	s6 =	simm.s32 @!p1 $0x1082;
	[sflag:s4] =	ssyncset.s32 $0xFFFFF086  }
0x25: {  	[simem:s6], [sflag:s4] =	dma.local [hbm:s3], $0xF7A  }
0x26: {  	[smem:$0x3FA0] =	sst s1;
	(tag) =	ssettag s2;
	_ =	strace s9  }
0x27: {  	s1 =	sld [smem:$0x3FB0]  }
0x28: {  	s2 =	sld [smem:$0x3FB1]  }
0x29: {  	s4 =	sld [smem:$0x3FB3]  }
0x2a: {  	p0 =	seq.s32 s5, $0x0;
	s5 =	sld [smem:$0x3FB4]  }
0x2b: {  	s6 =	sld [smem:$0x3FB5]  }
0x2c: {  	s7 =	sld [smem:$0x3FB6]  }
0x2d: {  	s3 =	simm.s32 $0x108;
	s8 =	sld [smem:$0x3FB7]  }
0x2e: {  	s3 =	simm.s32 @!p0 $0x1082;
	s9 =	sld [smem:$0x3FB8]  }
0x2f: {  	lr =	sadd.s32 s0, s3;
	s0 =	sld [smem:$0x3FAF]  }
0x30: {  	s3 =	sld [smem:$0x3FB2]  }
0x31: {  	[smem:$0x3FBB] =	sst s10  }
0x32: {  	s10 =	sld [smem:$0x3FB9];
	_ =	sdelay $0x3  }
0x33: {  	p0 =	seq.s32 s10, $0x1;
	s10 =	sld [smem:$0x3FBB];
	_ =	sdelay $0x3  }
0x34: {  	[smem:$0x3FBB] =	sst s10  }
0x35: {  	s10 =	sld [smem:$0x3FBA];
	_ =	sdelay $0x3  }
0x36: {  	p1 =	seq.s32 s10, $0x1;
	s10 =	sld [smem:$0x3FBB];
	_ =	sdelay $0x3  }
0x37: {  	[smem:$0x3FBB] =	sst s10  }
0x38: {  	s10 =	sld [smem:$0x3FBC]  }
0x39: {  	_ = 	snop;
	(pc) =	sbr.ind lr, $3  }
0x3a: {  	_ = 	snop  }
0x3b: {  	_ = 	snop  }
0x3c: {  	p2 =	seq.s32 s10, $0x1;
	s10 =	sld [smem:$0x3FBB]  }
0x3d: {  	_ =	shalt  }
0x3e: {  	_ =	shalt  }
0x3f: {  	_ =	shalt  }
0x40: {  	_ =	shalt  }
0x41: {  	_ =	shalt  }
0x42: {  	_ =	shalt  }
0x43: {  	_ =	shalt  }
0x44: {  	_ =	shalt  }
0x45: {  	_ =	shalt  }
0x46: {  	_ =	shalt  }
0x47: {  	_ =	shalt  }
0x48: {  	_ =	shalt  }
0x49: {  	_ =	shalt  }
0x4a: {  	_ =	shalt  }
0x4b: {  	_ =	shalt  }
0x4c: {  	_ =	shalt  }
0x4d: {  	_ =	shalt  }
0x4e: {  	_ =	shalt  }
0x4f: {  	_ =	shalt  }
0x50: {  	_ =	shalt  }
0x51: {  	_ =	shalt  }
0x52: {  	_ =	shalt  }
0x53: {  	_ =	shalt  }
0x54: {  	_ =	shalt  }
0x55: {  	_ =	shalt  }
0x56: {  	_ =	shalt  }
0x57: {  	_ =	shalt  }
0x58: {  	_ =	shalt  }
0x59: {  	_ =	shalt  }
0x5a: {  	_ =	shalt  }
0x5b: {  	_ =	shalt  }
0x5c: {  	_ =	shalt  }
0x5d: {  	_ =	shalt  }
0x5e: {  	_ =	shalt  }
0x5f: {  	_ =	shalt  }
0x60: {  	_ =	shalt  }
0x61: {  	_ =	shalt  }
0x62: {  	_ =	shalt  }
0x63: {  	_ =	shalt  }
0x64: {  	_ =	shalt  }
0x65: {  	_ =	shalt  }
0x66: {  	_ =	shalt  }
0x67: {  	_ =	shalt  }
0x68: {  	_ =	shalt  }
0x69: {  	_ =	shalt  }
0x6a: {  	_ =	shalt  }
0x6b: {  	_ =	shalt  }
0x6c: {  	_ =	shalt  }
0x6d: {  	_ =	shalt  }
0x6e: {  	_ =	shalt  }
0x6f: {  	_ =	shalt  }
0x70: {  	_ =	shalt  }
0x71: {  	_ =	shalt  }
0x72: {  	_ =	shalt  }
0x73: {  	_ =	shalt  }
0x74: {  	_ =	shalt  }
0x75: {  	_ =	shalt  }
0x76: {  	_ =	shalt  }
0x77: {  	_ =	shalt  }
0x78: {  	_ =	shalt  }
0x79: {  	_ =	shalt  }
0x7a: {  	_ =	shalt  }
0x7b: {  	_ =	shalt  }
0x7c: {  	_ =	shalt  }
0x7d: {  	_ =	shalt  }
0x7e: {  	_ =	shalt  }
0x7f: {  	_ =	shalt  }
0x80: {  	_ =	shalt  }
0x81: {  	_ =	shalt  }
0x82: {  	_ =	shalt  }
0x83: {  	_ =	shalt  }
0x84: {  	_ =	shalt  }
0x85: {  	_ =	shalt  }
0x86: {  	_ =	shalt  }
0x87: {  	_ =	shalt  }
.Lfunc_end0:
.L_simem_size_0:
called_computation_lowered:
.L_overlay_start_0:
0x88: {  	s2 =	sld [smem:$0x3FD9]  }
0x89: {  	s3 =	sld [smem:$0x3FFE];
	_ =	sdelay $0x1  }
0x8a: {  	s1 =	srdreg.scid  }
0x8b: {  	s0 =	sand.u32 $0x1, s1  }
0x8c: {  	s16 =	sshll.u32 s0, $0xA;
	s2 =	sadd.s32 s3, s2  }
0x8d: {  	s2 =	sadd.s32 s2, s16  }
0x8e: {  	[smem:$0x3FC7] =	sst s2  }
0x8f: {  	_ = 	snop  }
0x90: {  	(tm) =	ssettm $0x1  }
0x91: {  	s17 =	sld [smem:$0x3FFB];
	_ =	sdelay $0x3  }
0x92: {  	_ =	strace s17  }
0x93: {  	s2 =	sld [smem:$0x3FFC];
	_ =	sdelay $0x3  }
0x94: {  	_ =	strace s2  }
0x95: {  	s2 =	sld [smem:$0x3FFD];
	_ =	sdelay $0x3  }
0x96: {  	_ =	strace s2  }
0x97: {  	_ =	strace $0x8FFFFFFF  }
0x98: {  	s18 =	sld [smem:$0x3FDB];
	_ =	sdelay $0x1  }
0x99: {  	s19 =	simm.s32 $_scs_section_size  }
0x9a: {  	s4 =	simm.s32 $_size__tile_overlayer_lowered;
	s5 =	simm.s32 $_tile_overlayer_lowered  }
0x9b: {  	s22 =	simm.s32 $0x1BFF;
	s21 =	sshll.u32 s5, $0x1;
	s2 =	sadd.s32 s19, s18  }
0x9c: {  	s6 =	simm.s32 $0x0;
	s20 =	sshll.u32 s4, $0x1;
	s4 =	sadd.s32 s21, s2  }
0x9d: {  	[timem:s6], [sflag:s22] =	dma.local [hbm:s4], s20  }
0x9e: {  	_ =	swait.ge [sflag:s22], s20  }
0x9f: {  	s3 =	ssub.s32 $0x0, s20;
	[sflag:s22] =	ssyncset.done $0x0  }
0xa0: {  	[sflag:s22] =	ssyncadd.s32 s3;
	_ =	sdelay $0x1  }
0xa1: {  	s23 =	simm.s32 $0x1B8B  }
0xa2: {  	_ =	swait.ge [sflag:s23], $0x1  }
0xa3: {  	[sflag:s23] =	ssyncset.done $0x0  }
0xa4: {  	s25 =	simm.s32 $0x1B8E;
	s24 =	sld [smem:$0x3FFE];
	[sflag:s23] =	ssyncadd.s32 $0xFFFFFFFF  }
0xa5: {  	s26 =	simm.s32 $execute0_lowered;
	[smem:$0x3FD2] =	sst s25  }
0xa6: {  	s4 =	sshll.u32 s26, $0x1;
	_ =	strace $0x80000046;
	[dreg:$0x1] =	wrdreg $0xFFFFFFFF  }
0xa7: {  	s28 =	simm.s32 $_size_execute0_lowered;
	s2 =	sadd.s32 s2, s4;
	[dreg:$0x0] =	wrdreg $0x0  }
0xa8: {  	s4 =	sshll.u32 s28, $0x1;
	[dreg:$0x2] =	wrdreg s2  }
0xa9: {  	[dreg:$0x3] =	wrdreg s4  }
0xaa: {  	[dreg:$0x4] =	wrdreg $0xC0  }
0xab: {  	_ =	task [dreg:s6], $0x5FFFF  }
0xac: {  	[dreg:$0x1] =	wrdreg $0xFFFFFFFF  }
0xad: {  	[dreg:$0x0] =	wrdreg $0x60  }
0xae: {  	[dreg:$0x2] =	wrdreg s24  }
0xaf: {  	[dreg:$0x3] =	wrdreg $0x9  }
0xb0: {  	_ =	task.clear_ibuf [dreg:s6], $0x4FFFF;
	_ =	strace $0x90000046  }
0xb1: {  	s29 =	simm.s32 $0x9;
	_ =	strace $0x80000048  }
0xb2: {  	_ =	swait.ge [sflag:s29], $0x1  }
0xb3: {  	[sflag:s29] =	ssyncadd.s32 $0xFFFFFFFF  }
0xb4: {  	_ =	strace $0x90000048  }
0xb5: {  	_ =	sfence  }
0xb6: {  	s30 =	sld [smem:$0x0];
	_ =	sdelay $0x2  }
0xb7: {  	s31 =	sshll.u32 s1, $0xD;
	s1 =	sshrl.u32 s1, $0x2  }
0xb8: {  	s3 =	sand.u32 $0x4000, s31;
	s1 =	sadd.s32 s1, s30  }
0xb9: {  	s0 =	sor.u32 s3, s0;
	s1 =	sshll.u32 s1, $0x11  }
0xba: {  	s0 =	sor.u32 s1, s0  }
0xbb: {  	s0 =	sadd.s32 $0x8F2B, s0  }
0xbc: {  	[sflag:s0] =	ssyncadd.remote.s32 $0x1  }
0xbd: {  	_ =	sfence.sel $0xFFFF  }
0xbe: {  	[dreg:$0x0] =	wrdreg $0xFFFFFFFF;
	(pc) =	sbr.abs _section_cstart, $3  }
0xbf: {  	[dreg:$0x1] =	wrdreg $0xFFFFFFFF  }
0xc0: {  	_ =	task.clear_ibuf [dreg:s6], $0x2FFFF;
	_ =	strace $0x9FFFFFFF  }
0xc1: {  	(tm) =	ssettm $0x7FFFFFFF  }
tec
execute0_lowered:
.L_overlay_start_1:
0x0: {  	(tag) =	ssettag $0x1  }
0x1: {  	s1 =	srdreg.scid;
	s0 =	stileid.u32  }
0x2: {  	s23 =	sand.u32 $0x1, s1;
	s31 =	sshll.u32 s0, $0x1  }
0x3: {  	s22 =	sor.u32 s23, s31  }
0x4: {  	s21 =	rddreg [dreg:$0x0];
	s14 =	smul.u32 $0x30E00, s22  }
0x5: {  	s2 =	simm.s32 $0x0;
	s5 =	simm.s32 $0x80;
	s6 =	simm.s32 $0x400  }
0x6: {  	v0 =	vimm.f32 $0.0e+00;
	s3 =	simm.s32 $0x1;
	[smem:$0x7FF] =	sst s2;
	s13 =	sadd.s32 $0x61C000, s14  }
0x7: {  	s1 =	rddreg [dreg:$0x1];
	_ =	strace $0x80000047;
	[tilespmem:$0x18700] =	vst v0;
	s4 =	sadd.s32 s21, s13  }
0x8: {  	[tilespmem:s2], [sflag:$0x1] =	stream.strided.gather [hbm4b:s4+s5], $0x18700, s6, s5, $0x38;
	[tilespmem:$0x18780] =	vst v63  }
0x9: {  	_ =	swait.ge [sflag:s3], $0x18700  }
0xa: {  	[sflag:s3] =	ssyncset.done $0x0  }
0xb: {  	[sflag:s3] =	ssyncadd.s32 $0xFFFE7900  }
0xc: {  	v1 =	vld [tilespmem:$0x18700]  }
0xd: {  	v2 =	vld [tilespmem:$0x0];
	_ =	sdelay $0x4  }
0xe: {  	v1 =	vadd.f32 v2, v1  }
0xf: {  	s15 =	sadd.s32 $0x10, s21  }
0x10: {  	s7 =	sadd.s32 s13, s15;
	[tilespmem:$0x18700] =	vst v1  }
0x11: {  	[tilespmem:s2], [sflag:$0x1] =	stream.strided.gather [hbm4b:s7+s5], $0x18700, s6, s5, $0x38;
	[tilespmem:$0x18780] =	vst v63  }
0x12: {  	_ =	swait.ge [sflag:s3], $0x18700  }
0x13: {  	[sflag:s3] =	ssyncset.done $0x0  }
0x14: {  	[sflag:s3] =	ssyncadd.s32 $0xFFFE7900  }
0x15: {  	v1 =	vld [tilespmem:$0x18700]  }
0x16: {  	v2 =	vld [tilespmem:$0x0];
	_ =	sdelay $0x4  }
0x17: {  	v1 =	vadd.f32 v2, v1  }
0x18: {  	s16 =	sadd.s32 $0x20, s21  }
0x19: {  	s8 =	sadd.s32 s13, s16;
	[tilespmem:$0x18700] =	vst v1  }
0x1a: {  	[tilespmem:s2], [sflag:$0x1] =	stream.strided.gather [hbm4b:s8+s5], $0x18700, s6, s5, $0x38;
	[tilespmem:$0x18780] =	vst v63  }
0x1b: {  	_ =	swait.ge [sflag:s3], $0x18700  }
0x1c: {  	[sflag:s3] =	ssyncset.done $0x0  }
0x1d: {  	[sflag:s3] =	ssyncadd.s32 $0xFFFE7900  }
0x1e: {  	v1 =	vld [tilespmem:$0x18700]  }
0x1f: {  	v2 =	vld [tilespmem:$0x0];
	_ =	sdelay $0x4  }
0x20: {  	v1 =	vadd.f32 v2, v1  }
0x21: {  	s17 =	sadd.s32 $0x30, s21  }
0x22: {  	s9 =	sadd.s32 s13, s17;
	[tilespmem:$0x18700] =	vst v1  }
0x23: {  	[tilespmem:s2], [sflag:$0x1] =	stream.strided.gather [hbm4b:s9+s5], $0x18700, s6, s5, $0x38;
	[tilespmem:$0x18780] =	vst v63  }
0x24: {  	_ =	swait.ge [sflag:s3], $0x18700  }
0x25: {  	[sflag:s3] =	ssyncset.done $0x0  }
0x26: {  	[sflag:s3] =	ssyncadd.s32 $0xFFFE7900  }
0x27: {  	v1 =	vld [tilespmem:$0x18700]  }
0x28: {  	v2 =	vld [tilespmem:$0x0];
	_ =	sdelay $0x4  }
0x29: {  	v1 =	vadd.f32 v2, v1  }
0x2a: {  	s18 =	sadd.s32 $0x40, s21  }
0x2b: {  	s10 =	sadd.s32 s13, s18;
	[tilespmem:$0x18700] =	vst v1  }
0x2c: {  	[tilespmem:s2], [sflag:$0x1] =	stream.strided.gather [hbm4b:s10+s5], $0x18700, s6, s5, $0x38;
	[tilespmem:$0x18780] =	vst v63  }
0x2d: {  	_ =	swait.ge [sflag:s3], $0x18700  }
0x2e: {  	[sflag:s3] =	ssyncset.done $0x0  }
0x2f: {  	[sflag:s3] =	ssyncadd.s32 $0xFFFE7900  }
0x30: {  	v1 =	vld [tilespmem:$0x18700]  }
0x31: {  	v2 =	vld [tilespmem:$0x0];
	_ =	sdelay $0x4  }
0x32: {  	v1 =	vadd.f32 v2, v1  }
0x33: {  	s19 =	sadd.s32 $0x50, s21  }
0x34: {  	s11 =	sadd.s32 s13, s19;
	[tilespmem:$0x18700] =	vst v1  }
0x35: {  	[tilespmem:s2], [sflag:$0x1] =	stream.strided.gather [hbm4b:s11+s5], $0x18700, s6, s5, $0x38;
	[tilespmem:$0x18780] =	vst v63  }
0x36: {  	_ =	swait.ge [sflag:s3], $0x18700  }
0x37: {  	[sflag:s3] =	ssyncset.done $0x0  }
0x38: {  	[sflag:s3] =	ssyncadd.s32 $0xFFFE7900  }
0x39: {  	v1 =	vld [tilespmem:$0x18700]  }
0x3a: {  	v2 =	vld [tilespmem:$0x0];
	_ =	sdelay $0x4  }
0x3b: {  	v1 =	vadd.f32 v2, v1  }
0x3c: {  	s20 =	sadd.s32 $0x60, s21  }
0x3d: {  	s12 =	sadd.s32 s13, s20;
	[tilespmem:$0x18700] =	vst v1  }
0x3e: {  	[tilespmem:s2], [sflag:$0x1] =	stream.strided.gather [hbm4b:s12+s5], $0x18700, s6, s5, $0x38;
	[tilespmem:$0x18780] =	vst v63  }
0x3f: {  	_ =	swait.ge [sflag:s3], $0x18700  }
0x40: {  	[sflag:s3] =	ssyncset.done $0x0  }
0x41: {  	[sflag:s3] =	ssyncadd.s32 $0xFFFE7900  }
0x42: {  	v1 =	vld [tilespmem:$0x18700]  }
0x43: {  	v2 =	vld [tilespmem:$0x0];
	_ =	sdelay $0x4  }
0x44: {  	v1 =	vadd.f32 v2, v1  }
0x45: {  	s24 =	sadd.s32 $0x70, s21  }
0x46: {  	s13 =	sadd.s32 s13, s24;
	[tilespmem:$0x18700] =	vst v1  }
0x47: {  	[tilespmem:s2], [sflag:$0x1] =	stream.strided.gather [hbm4b:s13+s5], $0x18700, s6, s5, $0x38;
	[tilespmem:$0x18780] =	vst v63  }
0x48: {  	_ =	swait.ge [sflag:s3], $0x18700  }
0x49: {  	[sflag:s3] =	ssyncset.done $0x0  }
0x4a: {  	[sflag:s3] =	ssyncadd.s32 $0xFFFE7900  }
0x4b: {  	v1 =	vld [tilespmem:$0x18700]  }
0x4c: {  	v2 =	vld [tilespmem:$0x0];
	_ =	sdelay $0x4  }
0x4d: {  	v1 =	vadd.f32 v2, v1  }
0x4e: {  	s25 =	sadd.s32 $0x634700, s14  }
0x4f: {  	s14 =	sadd.s32 s21, s25;
	[tilespmem:$0x18700] =	vst v1  }
0x50: {  	[tilespmem:s2], [sflag:$0x1] =	stream.strided.gather [hbm4b:s14+s5], $0x18700, s6, s5, $0x38;
	[tilespmem:$0x18780] =	vst v63  }
0x51: {  	_ =	swait.ge [sflag:s3], $0x18700  }
0x52: {  	[sflag:s3] =	ssyncset.done $0x0  }
0x53: {  	[sflag:s3] =	ssyncadd.s32 $0xFFFE7900  }
0x54: {  	v1 =	vld [tilespmem:$0x18700]  }
0x55: {  	v2 =	vld [tilespmem:$0x0];
	_ =	sdelay $0x4  }
0x56: {  	v1 =	vadd.f32 v2, v1;
	_ =	sdelay $0x1  }
0x57: {  	s15 =	sadd.s32 s25, s15;
	[tilespmem:$0x18700] =	vst v1  }
0x58: {  	[tilespmem:s2], [sflag:$0x1] =	stream.strided.gather [hbm4b:s15+s5], $0x18700, s6, s5, $0x38;
	[tilespmem:$0x18780] =	vst v63  }
0x59: {  	_ =	swait.ge [sflag:s3], $0x18700  }
0x5a: {  	[sflag:s3] =	ssyncset.done $0x0  }
0x5b: {  	[sflag:s3] =	ssyncadd.s32 $0xFFFE7900  }
0x5c: {  	v1 =	vld [tilespmem:$0x18700]  }
0x5d: {  	v2 =	vld [tilespmem:$0x0];
	_ =	sdelay $0x4  }
0x5e: {  	v1 =	vadd.f32 v2, v1;
	_ =	sdelay $0x1  }
0x5f: {  	s16 =	sadd.s32 s25, s16;
	[tilespmem:$0x18700] =	vst v1  }
0x60: {  	[tilespmem:s2], [sflag:$0x1] =	stream.strided.gather [hbm4b:s16+s5], $0x18700, s6, s5, $0x38;
	[tilespmem:$0x18780] =	vst v63  }
0x61: {  	_ =	swait.ge [sflag:s3], $0x18700  }
0x62: {  	[sflag:s3] =	ssyncset.done $0x0  }
0x63: {  	[sflag:s3] =	ssyncadd.s32 $0xFFFE7900  }
0x64: {  	v1 =	vld [tilespmem:$0x18700]  }
0x65: {  	v2 =	vld [tilespmem:$0x0];
	_ =	sdelay $0x4  }
0x66: {  	v1 =	vadd.f32 v2, v1;
	_ =	sdelay $0x1  }
0x67: {  	s17 =	sadd.s32 s25, s17;
	[tilespmem:$0x18700] =	vst v1  }
0x68: {  	[tilespmem:s2], [sflag:$0x1] =	stream.strided.gather [hbm4b:s17+s5], $0x18700, s6, s5, $0x38;
	[tilespmem:$0x18780] =	vst v63  }
0x69: {  	_ =	swait.ge [sflag:s3], $0x18700  }
0x6a: {  	[sflag:s3] =	ssyncset.done $0x0  }
0x6b: {  	[sflag:s3] =	ssyncadd.s32 $0xFFFE7900  }
0x6c: {  	v1 =	vld [tilespmem:$0x18700]  }
0x6d: {  	v2 =	vld [tilespmem:$0x0];
	_ =	sdelay $0x4  }
0x6e: {  	v1 =	vadd.f32 v2, v1;
	_ =	sdelay $0x1  }
0x6f: {  	s18 =	sadd.s32 s25, s18;
	[tilespmem:$0x18700] =	vst v1  }
0x70: {  	[tilespmem:s2], [sflag:$0x1] =	stream.strided.gather [hbm4b:s18+s5], $0x18700, s6, s5, $0x38;
	[tilespmem:$0x18780] =	vst v63  }
0x71: {  	_ =	swait.ge [sflag:s3], $0x18700  }
0x72: {  	[sflag:s3] =	ssyncset.done $0x0  }
0x73: {  	[sflag:s3] =	ssyncadd.s32 $0xFFFE7900  }
0x74: {  	v1 =	vld [tilespmem:$0x18700]  }
0x75: {  	v2 =	vld [tilespmem:$0x0];
	_ =	sdelay $0x4  }
0x76: {  	v1 =	vadd.f32 v2, v1;
	_ =	sdelay $0x1  }
0x77: {  	s19 =	sadd.s32 s25, s19;
	[tilespmem:$0x18700] =	vst v1  }
0x78: {  	[tilespmem:s2], [sflag:$0x1] =	stream.strided.gather [hbm4b:s19+s5], $0x18700, s6, s5, $0x38;
	[tilespmem:$0x18780] =	vst v63  }
0x79: {  	_ =	swait.ge [sflag:s3], $0x18700  }
0x7a: {  	[sflag:s3] =	ssyncset.done $0x0  }
0x7b: {  	[sflag:s3] =	ssyncadd.s32 $0xFFFE7900  }
0x7c: {  	v1 =	vld [tilespmem:$0x18700]  }
0x7d: {  	v2 =	vld [tilespmem:$0x0];
	_ =	sdelay $0x4  }
0x7e: {  	v1 =	vadd.f32 v2, v1;
	_ =	sdelay $0x1  }
0x7f: {  	s20 =	sadd.s32 s25, s20;
	[tilespmem:$0x18700] =	vst v1  }
0x80: {  	[tilespmem:s2], [sflag:$0x1] =	stream.strided.gather [hbm4b:s20+s5], $0x18700, s6, s5, $0x38;
	[tilespmem:$0x18780] =	vst v63  }
0x81: {  	_ =	swait.ge [sflag:s3], $0x18700  }
0x82: {  	[sflag:s3] =	ssyncset.done $0x0  }
0x83: {  	s23 =	ssub.s32 $0x2, s23;
	[sflag:s3] =	ssyncadd.s32 $0xFFFE7900  }
0x84: {  	s26 =	sshrl.u32 s23, $0x1;
	v1 =	vld [tilespmem:$0x18700]  }
0x85: {  	s23 =	ssub.s32 s23, s26;
	v2 =	vld [tilespmem:$0x0]  }
0x86: {  	s26 =	smax.u32 s23, $0x1  }
0x87: {  	p0 =	sne.s32 s26, $0x1  }
.Ltmp0:
0x88: {  	_ = 	snop;
	(pc) =	sbr.rel @!p0 .LBB2_2-.Ltmp0, $4  }
0x89: {  	_ = 	snop  }
0x8a: {  	s22 =	sshll.u32 s22, $0x4;
	v1 =	vadd.f32 v2, v1  }
0x8b: {  	s23 =	simm.s32 $0x18700;
	s21 =	sadd.s32 s22, s21;
	s24 =	sadd.s32 s25, s24  }
0x8c: {  	s22 =	simm.s32 $0x2;
	s25 =	sadd.s32 $0xFFFFFFFF, s26;
	s21 =	sadd.s32 $0xC38000, s21;
	[tilespmem:$0x18700] =	vst v1  }
.LBB2_1:
0x8d: {  	[tilespmem:s2], [sflag:$0x1] =	stream.strided.gather [hbm4b:s24+s5], $0x18700, s6, s5, $0x38;
	[tilespmem:$0x18780] =	vst v63  }
0x8e: {  	p0 =	sne.s32 s25, $0x1;
	s25 =	sadd.s32 $0xFFFFFFFF, s25;
	_ =	swait.ge [sflag:s3], $0x18700  }
0x8f: {  	[sflag:s3] =	ssyncset.done $0x0  }
0x90: {  	[sflag:s3] =	ssyncadd.s32 $0xFFFE7900  }
0x91: {  	v1 =	vld [tilespmem:$0x18700]  }
0x92: {  	v2 =	vld [tilespmem:$0x0];
	_ =	sdelay $0x4  }
0x93: {  	v1 =	vadd.f32 v2, v1;
	_ =	sdelay $0x1  }
0x94: {  	[tilespmem:$0x18700] =	vst v1  }
0x95: {  	[hbm4b:s21+s2] =	stream.linear.scatter [tilespmem:s23], [sflag:$0x2], $0x80, $0x38;
	[tilespmem:$0x18780] =	vst v63  }
0x96: {  	_ =	swait.ge [sflag:s22], $0x80  }
0x97: {  	[sflag:s22] =	ssyncset.done $0x0  }
0x98: {  	[sflag:s22] =	ssyncadd.s32 $0xFFFFFF80  }
0x99: {  	[tilespmem:$0x18700] =	vst v0  }
0x9a: {  	[tilespmem:s2], [sflag:$0x1] =	stream.strided.gather [hbm4b:s4+s5], $0x18700, s6, s5, $0x38;
	[tilespmem:$0x18780] =	vst v63  }
0x9b: {  	_ =	swait.ge [sflag:s3], $0x18700  }
0x9c: {  	[sflag:s3] =	ssyncset.done $0x0  }
0x9d: {  	[sflag:s3] =	ssyncadd.s32 $0xFFFE7900  }
0x9e: {  	v1 =	vld [tilespmem:$0x18700]  }
0x9f: {  	v2 =	vld [tilespmem:$0x0];
	_ =	sdelay $0x4  }
0xa0: {  	v1 =	vadd.f32 v2, v1;
	_ =	sdelay $0x1  }
0xa1: {  	[tilespmem:$0x18700] =	vst v1  }
0xa2: {  	[tilespmem:s2], [sflag:$0x1] =	stream.strided.gather [hbm4b:s7+s5], $0x18700, s6, s5, $0x38;
	[tilespmem:$0x18780] =	vst v63  }
0xa3: {  	_ =	swait.ge [sflag:s3], $0x18700  }
0xa4: {  	[sflag:s3] =	ssyncset.done $0x0  }
0xa5: {  	[sflag:s3] =	ssyncadd.s32 $0xFFFE7900  }
0xa6: {  	v1 =	vld [tilespmem:$0x18700]  }
0xa7: {  	v2 =	vld [tilespmem:$0x0];
	_ =	sdelay $0x4  }
0xa8: {  	v1 =	vadd.f32 v2, v1;
	_ =	sdelay $0x1  }
0xa9: {  	[tilespmem:$0x18700] =	vst v1  }
0xaa: {  	[tilespmem:s2], [sflag:$0x1] =	stream.strided.gather [hbm4b:s8+s5], $0x18700, s6, s5, $0x38;
	[tilespmem:$0x18780] =	vst v63  }
0xab: {  	_ =	swait.ge [sflag:s3], $0x18700  }
0xac: {  	[sflag:s3] =	ssyncset.done $0x0  }
0xad: {  	[sflag:s3] =	ssyncadd.s32 $0xFFFE7900  }
0xae: {  	v1 =	vld [tilespmem:$0x18700]  }
0xaf: {  	v2 =	vld [tilespmem:$0x0];
	_ =	sdelay $0x4  }
0xb0: {  	v1 =	vadd.f32 v2, v1;
	_ =	sdelay $0x1  }
0xb1: {  	[tilespmem:$0x18700] =	vst v1  }
0xb2: {  	[tilespmem:s2], [sflag:$0x1] =	stream.strided.gather [hbm4b:s9+s5], $0x18700, s6, s5, $0x38;
	[tilespmem:$0x18780] =	vst v63  }
0xb3: {  	_ =	swait.ge [sflag:s3], $0x18700  }
0xb4: {  	[sflag:s3] =	ssyncset.done $0x0  }
0xb5: {  	[sflag:s3] =	ssyncadd.s32 $0xFFFE7900  }
0xb6: {  	v1 =	vld [tilespmem:$0x18700]  }
0xb7: {  	v2 =	vld [tilespmem:$0x0];
	_ =	sdelay $0x4  }
0xb8: {  	v1 =	vadd.f32 v2, v1;
	_ =	sdelay $0x1  }
0xb9: {  	[tilespmem:$0x18700] =	vst v1  }
0xba: {  	[tilespmem:s2], [sflag:$0x1] =	stream.strided.gather [hbm4b:s10+s5], $0x18700, s6, s5, $0x38;
	[tilespmem:$0x18780] =	vst v63  }
0xbb: {  	_ =	swait.ge [sflag:s3], $0x18700  }
0xbc: {  	[sflag:s3] =	ssyncset.done $0x0  }
0xbd: {  	[sflag:s3] =	ssyncadd.s32 $0xFFFE7900  }
0xbe: {  	v1 =	vld [tilespmem:$0x18700]  }
0xbf: {  	v2 =	vld [tilespmem:$0x0];
	_ =	sdelay $0x4  }
0xc0: {  	v1 =	vadd.f32 v2, v1;
	_ =	sdelay $0x1  }
0xc1: {  	[tilespmem:$0x18700] =	vst v1  }
0xc2: {  	[tilespmem:s2], [sflag:$0x1] =	stream.strided.gather [hbm4b:s11+s5], $0x18700, s6, s5, $0x38;
	[tilespmem:$0x18780] =	vst v63  }
0xc3: {  	_ =	swait.ge [sflag:s3], $0x18700  }
0xc4: {  	[sflag:s3] =	ssyncset.done $0x0  }
0xc5: {  	[sflag:s3] =	ssyncadd.s32 $0xFFFE7900  }
0xc6: {  	v1 =	vld [tilespmem:$0x18700]  }
0xc7: {  	v2 =	vld [tilespmem:$0x0];
	_ =	sdelay $0x4  }
0xc8: {  	v1 =	vadd.f32 v2, v1;
	_ =	sdelay $0x1  }
0xc9: {  	[tilespmem:$0x18700] =	vst v1  }
0xca: {  	[tilespmem:s2], [sflag:$0x1] =	stream.strided.gather [hbm4b:s12+s5], $0x18700, s6, s5, $0x38;
	[tilespmem:$0x18780] =	vst v63  }
0xcb: {  	_ =	swait.ge [sflag:s3], $0x18700  }
0xcc: {  	[sflag:s3] =	ssyncset.done $0x0  }
0xcd: {  	[sflag:s3] =	ssyncadd.s32 $0xFFFE7900  }
0xce: {  	v1 =	vld [tilespmem:$0x18700]  }
0xcf: {  	v2 =	vld [tilespmem:$0x0];
	_ =	sdelay $0x4  }
0xd0: {  	v1 =	vadd.f32 v2, v1;
	_ =	sdelay $0x1  }
0xd1: {  	[tilespmem:$0x18700] =	vst v1  }
0xd2: {  	[tilespmem:s2], [sflag:$0x1] =	stream.strided.gather [hbm4b:s13+s5], $0x18700, s6, s5, $0x38;
	[tilespmem:$0x18780] =	vst v63  }
0xd3: {  	_ =	swait.ge [sflag:s3], $0x18700  }
0xd4: {  	[sflag:s3] =	ssyncset.done $0x0  }
0xd5: {  	[sflag:s3] =	ssyncadd.s32 $0xFFFE7900  }
0xd6: {  	v1 =	vld [tilespmem:$0x18700]  }
0xd7: {  	v2 =	vld [tilespmem:$0x0];
	_ =	sdelay $0x4  }
0xd8: {  	v1 =	vadd.f32 v2, v1;
	_ =	sdelay $0x1  }
0xd9: {  	[tilespmem:$0x18700] =	vst v1  }
0xda: {  	[tilespmem:s2], [sflag:$0x1] =	stream.strided.gather [hbm4b:s14+s5], $0x18700, s6, s5, $0x38;
	[tilespmem:$0x18780] =	vst v63  }
0xdb: {  	_ =	swait.ge [sflag:s3], $0x18700  }
0xdc: {  	[sflag:s3] =	ssyncset.done $0x0  }
0xdd: {  	[sflag:s3] =	ssyncadd.s32 $0xFFFE7900  }
0xde: {  	v1 =	vld [tilespmem:$0x18700]  }
0xdf: {  	v2 =	vld [tilespmem:$0x0];
	_ =	sdelay $0x4  }
0xe0: {  	v1 =	vadd.f32 v2, v1;
	_ =	sdelay $0x1  }
0xe1: {  	[tilespmem:$0x18700] =	vst v1  }
0xe2: {  	[tilespmem:s2], [sflag:$0x1] =	stream.strided.gather [hbm4b:s15+s5], $0x18700, s6, s5, $0x38;
	[tilespmem:$0x18780] =	vst v63  }
0xe3: {  	_ =	swait.ge [sflag:s3], $0x18700  }
0xe4: {  	[sflag:s3] =	ssyncset.done $0x0  }
0xe5: {  	[sflag:s3] =	ssyncadd.s32 $0xFFFE7900  }
0xe6: {  	v1 =	vld [tilespmem:$0x18700]  }
0xe7: {  	v2 =	vld [tilespmem:$0x0];
	_ =	sdelay $0x4  }
0xe8: {  	v1 =	vadd.f32 v2, v1;
	_ =	sdelay $0x1  }
0xe9: {  	[tilespmem:$0x18700] =	vst v1  }
0xea: {  	[tilespmem:s2], [sflag:$0x1] =	stream.strided.gather [hbm4b:s16+s5], $0x18700, s6, s5, $0x38;
	[tilespmem:$0x18780] =	vst v63  }
0xeb: {  	_ =	swait.ge [sflag:s3], $0x18700  }
0xec: {  	[sflag:s3] =	ssyncset.done $0x0  }
0xed: {  	[sflag:s3] =	ssyncadd.s32 $0xFFFE7900  }
0xee: {  	v1 =	vld [tilespmem:$0x18700]  }
0xef: {  	v2 =	vld [tilespmem:$0x0];
	_ =	sdelay $0x4  }
0xf0: {  	v1 =	vadd.f32 v2, v1;
	_ =	sdelay $0x1  }
0xf1: {  	[tilespmem:$0x18700] =	vst v1  }
0xf2: {  	[tilespmem:s2], [sflag:$0x1] =	stream.strided.gather [hbm4b:s17+s5], $0x18700, s6, s5, $0x38;
	[tilespmem:$0x18780] =	vst v63  }
0xf3: {  	_ =	swait.ge [sflag:s3], $0x18700  }
0xf4: {  	[sflag:s3] =	ssyncset.done $0x0  }
0xf5: {  	[sflag:s3] =	ssyncadd.s32 $0xFFFE7900  }
0xf6: {  	v1 =	vld [tilespmem:$0x18700]  }
0xf7: {  	v2 =	vld [tilespmem:$0x0];
	_ =	sdelay $0x4  }
0xf8: {  	v1 =	vadd.f32 v2, v1;
	_ =	sdelay $0x1  }
0xf9: {  	[tilespmem:$0x18700] =	vst v1  }
0xfa: {  	[tilespmem:s2], [sflag:$0x1] =	stream.strided.gather [hbm4b:s18+s5], $0x18700, s6, s5, $0x38;
	[tilespmem:$0x18780] =	vst v63  }
0xfb: {  	_ =	swait.ge [sflag:s3], $0x18700  }
0xfc: {  	[sflag:s3] =	ssyncset.done $0x0  }
0xfd: {  	[sflag:s3] =	ssyncadd.s32 $0xFFFE7900  }
0xfe: {  	v1 =	vld [tilespmem:$0x18700]  }
0xff: {  	v2 =	vld [tilespmem:$0x0];
	_ =	sdelay $0x4  }
0x100: {  	v1 =	vadd.f32 v2, v1;
	_ =	sdelay $0x1  }
0x101: {  	[tilespmem:$0x18700] =	vst v1  }
0x102: {  	[tilespmem:s2], [sflag:$0x1] =	stream.strided.gather [hbm4b:s19+s5], $0x18700, s6, s5, $0x38;
	[tilespmem:$0x18780] =	vst v63  }
0x103: {  	_ =	swait.ge [sflag:s3], $0x18700  }
0x104: {  	[sflag:s3] =	ssyncset.done $0x0  }
0x105: {  	[sflag:s3] =	ssyncadd.s32 $0xFFFE7900  }
0x106: {  	v1 =	vld [tilespmem:$0x18700]  }
0x107: {  	v2 =	vld [tilespmem:$0x0];
	_ =	sdelay $0x4  }
0x108: {  	v1 =	vadd.f32 v2, v1;
	_ =	sdelay $0x1  }
0x109: {  	[tilespmem:$0x18700] =	vst v1  }
0x10a: {  	[tilespmem:s2], [sflag:$0x1] =	stream.strided.gather [hbm4b:s20+s5], $0x18700, s6, s5, $0x38;
	[tilespmem:$0x18780] =	vst v63  }
0x10b: {  	_ =	swait.ge [sflag:s3], $0x18700  }
0x10c: {  	[sflag:s3] =	ssyncset.done $0x0  }
0x10d: {  	[sflag:s3] =	ssyncadd.s32 $0xFFFE7900  }
0x10e: {  	v1 =	vld [tilespmem:$0x18700]  }
0x10f: {  	v2 =	vld [tilespmem:$0x0];
	_ =	sdelay $0x2  }
.Ltmp1:
0x110: {  	(pc) =	sbr.rel @p0 .LBB2_1-.Ltmp1, $3  }
0x111: {  	_ = 	snop  }
0x112: {  	v1 =	vadd.f32 v2, v1;
	_ =	sdelay $0x1  }
0x113: {  	[tilespmem:$0x18700] =	vst v1  }
.LBB2_2:
0x114: {  	[tilespmem:s2], [sflag:$0x1] =	stream.strided.gather [hbm4b:s24+s5], $0x18700, s6, s5, $0x38;
	[tilespmem:$0x18780] =	vst v63  }
0x115: {  	_ =	swait.ge [sflag:s3], $0x18700  }
0x116: {  	[sflag:s3] =	ssyncset.done $0x0  }
0x117: {  	[sflag:s3] =	ssyncadd.s32 $0xFFFE7900  }
0x118: {  	v0 =	vld [tilespmem:$0x18700]  }
0x119: {  	v1 =	vld [tilespmem:$0x0];
	_ =	sdelay $0x4  }
0x11a: {  	v0 =	vadd.f32 v1, v0;
	_ =	sdelay $0x1  }
0x11b: {  	[tilespmem:$0x18700] =	vst v0  }
0x11c: {  	[hbm4b:s21+s2] =	stream.linear.scatter [tilespmem:s23], [sflag:$0x2], $0x80, $0x38;
	[tilespmem:$0x18780] =	vst v63  }
0x11d: {  	_ =	swait.ge [sflag:s22], $0x80  }
0x11e: {  	[sflag:s22] =	ssyncset.done $0x0  }
0x11f: {  	[sflag:s22] =	ssyncadd.s32 $0xFFFFFF80  }
0x120: {  	_ =	sfence.sel $0x180000  }
0x121: {  	[bflag:$0x0] =	sbarrier.arrive $0xFFFF  }
0x122: {  	p0 =	sne.s32 s0, $0x0;
	_ =	strace $0x90000047  }
0x123: {  	s0 =	sadd.s32 @!p0 $0x100000, s1;
	[bflag:$0x2] =	sbarrier.arrive $0xFFFF  }
0x124: {  	[sflag:s0] =	ssyncadd.tile.s32 @!p0 $0x1;
	_ =	shalt  }
.Lfunc_end2:
_tile_overlayer_lowered:
.L_overlay_start_2:
0x125: {  	(tag) =	ssettag $0x2  }
0x126: {  	s0 =	rddreg [dreg:$0x0];
	s2 =	stileid.u32  }
0x127: {  	s1 =	rddreg [dreg:$0x1];
	p0 =	sne.s32 s2, $0x0  }
0x128: {  	s3 =	rddreg [dreg:$0x2];
	[bflag:$0x3] =	sbarrier.arrive $0xFFFF;
	s2 =	simm.s32 @!p0 $0x1C02  }
0x129: {  	[timem:s3], [sflag:s2] =	dma.local @!p0 [hbm:s0], s1  }
0x12a: {  	s0 =	simm.s32 @!p0 $0x2  }
0x12b: {  	_ =	swait.ge @!p0 [sflag:s0], s1  }
0x12c: {  	s1 =	ssub.s32 @!p0 $0x0, s1;
	[sflag:s0] =	ssyncset.done @!p0 $0x0  }
0x12d: {  	[sflag:s0] =	ssyncadd.s32 @!p0 s1  }
0x12e: {  	[bflag:$0x3] =	sbarrier.arrive $0xFFFF  }
0x12f: {  	_ =	shalt  }

</sc_bundles>
